<compile_context>
chip_gen: v7x
topology: tpu7x:2x2x1
jax: 0.10.2.dev20260603
libtpu: 0.0.44.dev20260713+nightly
codegen_flags: <defaults>
</compile_context>

<pallas_src>
import functools

import jax
import jax.numpy as jnp
from jax import lax
from jax.experimental import pallas as pl
from jax.experimental.pallas import tpu as pltpu
from jax.experimental.pallas import tpu_sc as plsc

L = 16
NUM_WORKERS = 32
CHUNK = 128
U_SLOTS = 4
V_SLOTS = 2


def _gmf_body(users_hbm, items_hbm, ut_hbm, it_hbm, out_hbm,
              idx, rows, sem_u, sem_v):
  n_chunks = idx.shape[0] // (2 * CHUNK)
  d = ut_hbm.shape[1]
  wid = lax.axis_index("s") * 2 + lax.axis_index("c")
  base = wid * n_chunks * CHUNK

  half = n_chunks * CHUNK
  ci = pltpu.async_copy(users_hbm.at[pl.ds(base, half)],
                        idx.at[pl.ds(0, half)], sem_u)
  cj = pltpu.async_copy(items_hbm.at[pl.ds(base, half)],
                        idx.at[pl.ds(half, half)], sem_v)
  ci.wait()
  cj.wait()

  def fire_u(j):
    return pltpu.async_copy(ut_hbm.at[idx.at[pl.ds(j * CHUNK, CHUNK)]],
                            rows.at[j % U_SLOTS], sem_u)

  def fire_v(j):
    return pltpu.async_copy(it_hbm.at[idx.at[pl.ds(half + j * CHUNK, CHUNK)]],
                            rows.at[U_SLOTS + j % V_SLOTS], sem_v)

  gu = [None] * n_chunks
  gv = [None] * n_chunks
  outs = [None] * n_chunks
  gu[0] = fire_u(0)
  gv[0] = fire_v(0)
  for j in range(1, min(max(U_SLOTS, V_SLOTS), n_chunks)):
    if j < U_SLOTS:
      gu[j] = fire_u(j)
    if j < V_SLOTS:
      gv[j] = fire_v(j)

  for j in range(n_chunks):
    gu[j].wait()
    gv[j].wait()
    uslot = j % U_SLOTS
    vslot = U_SLOTS + j % V_SLOTS

    def mul_row(r, _):
      for k2 in range(d // L):
        s = pl.ds(k2 * L, L)
        rows[uslot, r, s] = rows[uslot, r, s] * rows[vslot, r, s]
      return _

    lax.fori_loop(0, CHUNK, mul_row, 0)
    if j + V_SLOTS < n_chunks:
      gv[j + V_SLOTS] = fire_v(j + V_SLOTS)
    outs[j] = pltpu.async_copy(
        rows.at[uslot],
        out_hbm.at[pl.ds((wid * n_chunks + j) * CHUNK, CHUNK)], sem_u)

  for c in outs:
    if c is not None:
      c.wait()


def kernel(users, items, user_table, item_table):
  b = users.shape[0]
  d = user_table.shape[1]
  n_chunks = b // (NUM_WORKERS * CHUNK)

  mesh = plsc.VectorSubcoreMesh(core_axis_name="c", subcore_axis_name="s")
  run = functools.partial(
      pl.kernel,
      mesh=mesh,
      out_type=jax.ShapeDtypeStruct((b, d), jnp.float32),
      scratch_types=[
          pltpu.VMEM((2 * n_chunks * CHUNK,), jnp.int32),
          pltpu.VMEM((U_SLOTS + V_SLOTS, CHUNK, d), jnp.float32),
          pltpu.SemaphoreType.DMA,
          pltpu.SemaphoreType.DMA,
      ],
  )(_gmf_body)
  return run(users.astype(jnp.int32), items.astype(jnp.int32),
             user_table, item_table)

# --- scband reference (transcript-rebuilt; emitter-appended) ---
"""Pipeline reference for scband-gmf-25795573580324 (READ-ONLY COPY).

The authoritative reference and input builder live on the scoring server;
editing this copy changes nothing except your own understanding.
"""

import jax, jax.numpy as jnp
import numpy as np

NUM_USERS = 100000
NUM_ITEMS = 100000
EMBED_DIM = 128
BATCH = 16384

def setup_inputs(seed: int = 0) -> dict:
    key = jax.random.key(seed)
    k1, k2, k3, k4 = jax.random.split(key, 4)
    users = jax.random.randint(k1, (BATCH,), 0, NUM_USERS)
    items = jax.random.randint(k2, (BATCH,), 0, NUM_ITEMS)
    user_table = jax.random.normal(k3, (NUM_USERS, EMBED_DIM), dtype=jnp.float32) * 0.02
    item_table = jax.random.normal(k4, (NUM_ITEMS, EMBED_DIM), dtype=jnp.float32) * 0.02
    return {"users": users, "items": items, "user_table": user_table, "item_table": item_table}

def reference(users, items, user_table, item_table):
    # GMF forward with use_interactions=False, dropout=0.0 (eval / no-op):
    # user_embeds = user_embed(users); item_embeds = item_embed(items)
    # return user_embeds * item_embeds
    user_embeds = jnp.take(user_table, users, axis=0)
    item_embeds = jnp.take(item_table, items, axis=0)
    return user_embeds * item_embeds

if __name__ == "__main__":
    import jax
    _d = setup_inputs()
    print(jax.jit(kernel)(*tuple(_d.values())))

</pallas_src>

<mosaic_0001>
#map = affine_map<(d0, d1) -> (0)>
#map1 = affine_map<(d0, d1) -> (0, 0)>
module attributes {stable_mosaic.version = 14 : i64} {
  func.func @_gmf_body(%arg0: i32, %arg1: i32, %arg2: memref<16384xi32, #tpu.memory_space<hbm>>, %arg3: memref<16384xi32, #tpu.memory_space<hbm>>, %arg4: memref<100000x128xf32, #tpu.memory_space<hbm>>, %arg5: memref<100000x128xf32, #tpu.memory_space<hbm>>, %arg6: memref<16384x128xf32, #tpu.memory_space<hbm>>, %arg7: memref<1024xi32, #tpu.memory_space<vmem>>, %arg8: memref<6x128x128xf32, #tpu.memory_space<vmem>>, %arg9: memref<!tpu.dma_semaphore, #tpu.memory_space<semaphore_mem>>, %arg10: memref<!tpu.dma_semaphore, #tpu.memory_space<semaphore_mem>>) attributes {dimension_semantics = [#tpu.dimension_semantics<core_parallel>, #tpu.dimension_semantics<subcore_parallel>], iteration_bounds = array<i64: 2, 16>, scalar_prefetch = 0 : i64, scratch_operands = 4 : i64, tpu.core_type = #tpu.core_type<sc_vector_subcore>, window_params = [{transform_indices = #map}, {transform_indices = #map}, {transform_indices = #map1}, {transform_indices = #map1}, {transform_indices = #map1}]} {
    %mul3A = arith.constant 2 : i32
    %mul3A_0 = arith.muli %arg1, %mul3A : i32
    %add3A = arith.addi %mul3A_0, %arg0 : i32
    %mul3A_1 = arith.constant 4 : i32
    %mul3A_2 = arith.muli %add3A, %mul3A_1 : i32
    %mul3A_3 = arith.constant 128 : i32
    %mul3A_4 = arith.muli %mul3A_2, %mul3A_3 : i32
    %dma_start3A = arith.constant 0 : i32
    %dma_start3A_5 = tpu.memref_slice %arg7[%dma_start3A] : memref<1024xi32, #tpu.memory_space<vmem>> -> memref<512xi32, #tpu.memory_space<vmem>>
    %dma_start3A_6 = tpu.memref_slice %arg2[%mul3A_4] : memref<16384xi32, #tpu.memory_space<hbm>> -> memref<512xi32, #tpu.memory_space<hbm>>
    %dma_start3A_7 = arith.constant 0 : i32
    %dma_start3A_8 = tpu.memref_slice %arg7[%dma_start3A_7] : memref<1024xi32, #tpu.memory_space<vmem>> -> memref<512xi32, #tpu.memory_space<vmem>>
    %dma_start3A_9 = tpu.memref_slice %arg2[%mul3A_4] : memref<16384xi32, #tpu.memory_space<hbm>> -> memref<512xi32, #tpu.memory_space<hbm>>
    tpu.enqueue_dma source(%dma_start3A_9 : memref<512xi32, #tpu.memory_space<hbm>>) target(%dma_start3A_8 : memref<512xi32, #tpu.memory_space<vmem>>) target_semaphore(%arg9 : memref<!tpu.dma_semaphore, #tpu.memory_space<semaphore_mem>>)
    %dma_start3A_10 = arith.constant 512 : i32
    %dma_start3A_11 = tpu.memref_slice %arg7[%dma_start3A_10] : memref<1024xi32, #tpu.memory_space<vmem>> -> memref<512xi32, #tpu.memory_space<vmem>>
    %dma_start3A_12 = tpu.memref_slice %arg3[%mul3A_4] : memref<16384xi32, #tpu.memory_space<hbm>> -> memref<512xi32, #tpu.memory_space<hbm>>
    %dma_start3A_13 = arith.constant 512 : i32
    %dma_start3A_14 = tpu.memref_slice %arg7[%dma_start3A_13] : memref<1024xi32, #tpu.memory_space<vmem>> -> memref<512xi32, #tpu.memory_space<vmem>>
    %dma_start3A_15 = tpu.memref_slice %arg3[%mul3A_4] : memref<16384xi32, #tpu.memory_space<hbm>> -> memref<512xi32, #tpu.memory_space<hbm>>
    tpu.enqueue_dma source(%dma_start3A_15 : memref<512xi32, #tpu.memory_space<hbm>>) target(%dma_start3A_14 : memref<512xi32, #tpu.memory_space<vmem>>) target_semaphore(%arg10 : memref<!tpu.dma_semaphore, #tpu.memory_space<semaphore_mem>>)
    %dma_wait3A = arith.constant 0 : i32
    %dma_wait3A_16 = tpu.memref_slice %arg7[%dma_wait3A] : memref<1024xi32, #tpu.memory_space<vmem>> -> memref<512xi32, #tpu.memory_space<vmem>>
    %dma_wait3A_17 = tpu.memref_slice %arg2[%mul3A_4] : memref<16384xi32, #tpu.memory_space<hbm>> -> memref<512xi32, #tpu.memory_space<hbm>>
    %dma_wait3A_18 = arith.constant 0 : i32
    %dma_wait3A_19 = tpu.memref_slice %arg7[%dma_wait3A_18] : memref<1024xi32, #tpu.memory_space<vmem>> -> memref<512xi32, #tpu.memory_space<vmem>>
    %dma_wait3A_20 = tpu.memref_slice %arg2[%mul3A_4] : memref<16384xi32, #tpu.memory_space<hbm>> -> memref<512xi32, #tpu.memory_space<hbm>>
    tpu.wait_dma2 semaphore(%arg9 : memref<!tpu.dma_semaphore, #tpu.memory_space<semaphore_mem>>) src(%dma_wait3A_20 : memref<512xi32, #tpu.memory_space<hbm>>) dst(%dma_wait3A_19 : memref<512xi32, #tpu.memory_space<vmem>>)
    %dma_wait3A_21 = arith.constant 512 : i32
    %dma_wait3A_22 = tpu.memref_slice %arg7[%dma_wait3A_21] : memref<1024xi32, #tpu.memory_space<vmem>> -> memref<512xi32, #tpu.memory_space<vmem>>
    %dma_wait3A_23 = tpu.memref_slice %arg3[%mul3A_4] : memref<16384xi32, #tpu.memory_space<hbm>> -> memref<512xi32, #tpu.memory_space<hbm>>
    %dma_wait3A_24 = arith.constant 512 : i32
    %dma_wait3A_25 = tpu.memref_slice %arg7[%dma_wait3A_24] : memref<1024xi32, #tpu.memory_space<vmem>> -> memref<512xi32, #tpu.memory_space<vmem>>
    %dma_wait3A_26 = tpu.memref_slice %arg3[%mul3A_4] : memref<16384xi32, #tpu.memory_space<hbm>> -> memref<512xi32, #tpu.memory_space<hbm>>
    tpu.wait_dma2 semaphore(%arg10 : memref<!tpu.dma_semaphore, #tpu.memory_space<semaphore_mem>>) src(%dma_wait3A_26 : memref<512xi32, #tpu.memory_space<hbm>>) dst(%dma_wait3A_25 : memref<512xi32, #tpu.memory_space<vmem>>)
    %dma_start3A_27 = arith.constant 0 : i32
    %dma_start3A_28 = arith.constant 0 : i32
    %dma_start3A_29 = arith.constant 0 : i32
    %dma_start3A_30 = tpu.memref_slice %arg8[%dma_start3A_27, %dma_start3A_28, %dma_start3A_29] : memref<6x128x128xf32, #tpu.memory_space<vmem>> -> memref<1x128x128xf32, #tpu.memory_space<vmem>>
    %dma_start3A_31 = tpu.memref_squeeze %dma_start3A_30 : memref<1x128x128xf32, #tpu.memory_space<vmem>> -> memref<128x128xf32, #tpu.memory_space<vmem>>
    %dma_start3A_32 = arith.constant 0 : i32
    %dma_start3A_33 = tpu.memref_slice %arg7[%dma_start3A_32] : memref<1024xi32, #tpu.memory_space<vmem>> -> memref<128xi32, #tpu.memory_space<vmem>>
    %dma_start3A_34 = arith.constant 0 : i32
    %dma_start3A_35 = arith.constant 0 : i32
    %dma_start3A_36 = tpu.memref_slice %arg4[%dma_start3A_34, %dma_start3A_35] : memref<100000x128xf32, #tpu.memory_space<hbm>> -> memref<100000x128xf32, #tpu.memory_space<hbm>>
    tpu.enqueue_indirect_dma source(%dma_start3A_36 : memref<100000x128xf32, #tpu.memory_space<hbm>>) target(%dma_start3A_31 : memref<128x128xf32, #tpu.memory_space<vmem>>) offsets(%dma_start3A_33 : memref<128xi32, #tpu.memory_space<vmem>>) semaphore(%arg9 : memref<!tpu.dma_semaphore, #tpu.memory_space<semaphore_mem>>)
    %dma_start3A_37 = arith.constant 4 : i32
    %dma_start3A_38 = arith.constant 0 : i32
    %dma_start3A_39 = arith.constant 0 : i32
    %dma_start3A_40 = tpu.memref_slice %arg8[%dma_start3A_37, %dma_start3A_38, %dma_start3A_39] : memref<6x128x128xf32, #tpu.memory_space<vmem>> -> memref<1x128x128xf32, #tpu.memory_space<vmem>>
    %dma_start3A_41 = tpu.memref_squeeze %dma_start3A_40 : memref<1x128x128xf32, #tpu.memory_space<vmem>> -> memref<128x128xf32, #tpu.memory_space<vmem>>
    %dma_start3A_42 = arith.constant 512 : i32
    %dma_start3A_43 = tpu.memref_slice %arg7[%dma_start3A_42] : memref<1024xi32, #tpu.memory_space<vmem>> -> memref<128xi32, #tpu.memory_space<vmem>>
    %dma_start3A_44 = arith.constant 0 : i32
    %dma_start3A_45 = arith.constant 0 : i32
    %dma_start3A_46 = tpu.memref_slice %arg5[%dma_start3A_44, %dma_start3A_45] : memref<100000x128xf32, #tpu.memory_space<hbm>> -> memref<100000x128xf32, #tpu.memory_space<hbm>>
    tpu.enqueue_indirect_dma source(%dma_start3A_46 : memref<100000x128xf32, #tpu.memory_space<hbm>>) target(%dma_start3A_41 : memref<128x128xf32, #tpu.memory_space<vmem>>) offsets(%dma_start3A_43 : memref<128xi32, #tpu.memory_space<vmem>>) semaphore(%arg10 : memref<!tpu.dma_semaphore, #tpu.memory_space<semaphore_mem>>)
    %dma_start3A_47 = arith.constant 1 : i32
    %dma_start3A_48 = arith.constant 0 : i32
    %dma_start3A_49 = arith.constant 0 : i32
    %dma_start3A_50 = tpu.memref_slice %arg8[%dma_start3A_47, %dma_start3A_48, %dma_start3A_49] : memref<6x128x128xf32, #tpu.memory_space<vmem>> -> memref<1x128x128xf32, #tpu.memory_space<vmem>>
    %dma_start3A_51 = tpu.memref_squeeze %dma_start3A_50 : memref<1x128x128xf32, #tpu.memory_space<vmem>> -> memref<128x128xf32, #tpu.memory_space<vmem>>
    %dma_start3A_52 = arith.constant 128 : i32
    %dma_start3A_53 = tpu.memref_slice %arg7[%dma_start3A_52] : memref<1024xi32, #tpu.memory_space<vmem>> -> memref<128xi32, #tpu.memory_space<vmem>>
    %dma_start3A_54 = arith.constant 0 : i32
    %dma_start3A_55 = arith.constant 0 : i32
    %dma_start3A_56 = tpu.memref_slice %arg4[%dma_start3A_54, %dma_start3A_55] : memref<100000x128xf32, #tpu.memory_space<hbm>> -> memref<100000x128xf32, #tpu.memory_space<hbm>>
    tpu.enqueue_indirect_dma source(%dma_start3A_56 : memref<100000x128xf32, #tpu.memory_space<hbm>>) target(%dma_start3A_51 : memref<128x128xf32, #tpu.memory_space<vmem>>) offsets(%dma_start3A_53 : memref<128xi32, #tpu.memory_space<vmem>>) semaphore(%arg9 : memref<!tpu.dma_semaphore, #tpu.memory_space<semaphore_mem>>)
    %dma_start3A_57 = arith.constant 5 : i32
    %dma_start3A_58 = arith.constant 0 : i32
    %dma_start3A_59 = arith.constant 0 : i32
    %dma_start3A_60 = tpu.memref_slice %arg8[%dma_start3A_57, %dma_start3A_58, %dma_start3A_59] : memref<6x128x128xf32, #tpu.memory_space<vmem>> -> memref<1x128x128xf32, #tpu.memory_space<vmem>>
    %dma_start3A_61 = tpu.memref_squeeze %dma_start3A_60 : memref<1x128x128xf32, #tpu.memory_space<vmem>> -> memref<128x128xf32, #tpu.memory_space<vmem>>
    %dma_start3A_62 = arith.constant 640 : i32
    %dma_start3A_63 = tpu.memref_slice %arg7[%dma_start3A_62] : memref<1024xi32, #tpu.memory_space<vmem>> -> memref<128xi32, #tpu.memory_space<vmem>>
    %dma_start3A_64 = arith.constant 0 : i32
    %dma_start3A_65 = arith.constant 0 : i32
    %dma_start3A_66 = tpu.memref_slice %arg5[%dma_start3A_64, %dma_start3A_65] : memref<100000x128xf32, #tpu.memory_space<hbm>> -> memref<100000x128xf32, #tpu.memory_space<hbm>>
    tpu.enqueue_indirect_dma source(%dma_start3A_66 : memref<100000x128xf32, #tpu.memory_space<hbm>>) target(%dma_start3A_61 : memref<128x128xf32, #tpu.memory_space<vmem>>) offsets(%dma_start3A_63 : memref<128xi32, #tpu.memory_space<vmem>>) semaphore(%arg10 : memref<!tpu.dma_semaphore, #tpu.memory_space<semaphore_mem>>)
    %dma_start3A_67 = arith.constant 2 : i32
    %dma_start3A_68 = arith.constant 0 : i32
    %dma_start3A_69 = arith.constant 0 : i32
    %dma_start3A_70 = tpu.memref_slice %arg8[%dma_start3A_67, %dma_start3A_68, %dma_start3A_69] : memref<6x128x128xf32, #tpu.memory_space<vmem>> -> memref<1x128x128xf32, #tpu.memory_space<vmem>>
    %dma_start3A_71 = tpu.memref_squeeze %dma_start3A_70 : memref<1x128x128xf32, #tpu.memory_space<vmem>> -> memref<128x128xf32, #tpu.memory_space<vmem>>
    %dma_start3A_72 = arith.constant 256 : i32
    %dma_start3A_73 = tpu.memref_slice %arg7[%dma_start3A_72] : memref<1024xi32, #tpu.memory_space<vmem>> -> memref<128xi32, #tpu.memory_space<vmem>>
    %dma_start3A_74 = arith.constant 0 : i32
    %dma_start3A_75 = arith.constant 0 : i32
    %dma_start3A_76 = tpu.memref_slice %arg4[%dma_start3A_74, %dma_start3A_75] : memref<100000x128xf32, #tpu.memory_space<hbm>> -> memref<100000x128xf32, #tpu.memory_space<hbm>>
    tpu.enqueue_indirect_dma source(%dma_start3A_76 : memref<100000x128xf32, #tpu.memory_space<hbm>>) target(%dma_start3A_71 : memref<128x128xf32, #tpu.memory_space<vmem>>) offsets(%dma_start3A_73 : memref<128xi32, #tpu.memory_space<vmem>>) semaphore(%arg9 : memref<!tpu.dma_semaphore, #tpu.memory_space<semaphore_mem>>)
    %dma_start3A_77 = arith.constant 3 : i32
    %dma_start3A_78 = arith.constant 0 : i32
    %dma_start3A_79 = arith.constant 0 : i32
    %dma_start3A_80 = tpu.memref_slice %arg8[%dma_start3A_77, %dma_start3A_78, %dma_start3A_79] : memref<6x128x128xf32, #tpu.memory_space<vmem>> -> memref<1x128x128xf32, #tpu.memory_space<vmem>>
    %dma_start3A_81 = tpu.memref_squeeze %dma_start3A_80 : memref<1x128x128xf32, #tpu.memory_space<vmem>> -> memref<128x128xf32, #tpu.memory_space<vmem>>
    %dma_start3A_82 = arith.constant 384 : i32
    %dma_start3A_83 = tpu.memref_slice %arg7[%dma_start3A_82] : memref<1024xi32, #tpu.memory_space<vmem>> -> memref<128xi32, #tpu.memory_space<vmem>>
    %dma_start3A_84 = arith.constant 0 : i32
    %dma_start3A_85 = arith.constant 0 : i32
    %dma_start3A_86 = tpu.memref_slice %arg4[%dma_start3A_84, %dma_start3A_85] : memref<100000x128xf32, #tpu.memory_space<hbm>> -> memref<100000x128xf32, #tpu.memory_space<hbm>>
    tpu.enqueue_indirect_dma source(%dma_start3A_86 : memref<100000x128xf32, #tpu.memory_space<hbm>>) target(%dma_start3A_81 : memref<128x128xf32, #tpu.memory_space<vmem>>) offsets(%dma_start3A_83 : memref<128xi32, #tpu.memory_space<vmem>>) semaphore(%arg9 : memref<!tpu.dma_semaphore, #tpu.memory_space<semaphore_mem>>)
    %dma_wait3A_87 = arith.constant 0 : i32
    %dma_wait3A_88 = arith.constant 0 : i32
    %dma_wait3A_89 = arith.constant 0 : i32
    %dma_wait3A_90 = tpu.memref_slice %arg8[%dma_wait3A_87, %dma_wait3A_88, %dma_wait3A_89] : memref<6x128x128xf32, #tpu.memory_space<vmem>> -> memref<1x128x128xf32, #tpu.memory_space<vmem>>
    %dma_wait3A_91 = tpu.memref_squeeze %dma_wait3A_90 : memref<1x128x128xf32, #tpu.memory_space<vmem>> -> memref<128x128xf32, #tpu.memory_space<vmem>>
    %dma_wait3A_92 = arith.constant 0 : i32
    %dma_wait3A_93 = tpu.memref_slice %arg7[%dma_wait3A_92] : memref<1024xi32, #tpu.memory_space<vmem>> -> memref<128xi32, #tpu.memory_space<vmem>>
    %dma_wait3A_94 = arith.constant 0 : i32
    %dma_wait3A_95 = arith.constant 0 : i32
    %dma_wait3A_96 = tpu.memref_slice %arg4[%dma_wait3A_94, %dma_wait3A_95] : memref<100000x128xf32, #tpu.memory_space<hbm>> -> memref<100000x128xf32, #tpu.memory_space<hbm>>
    tpu.wait_indirect_dma semaphore(%arg9 : memref<!tpu.dma_semaphore, #tpu.memory_space<semaphore_mem>>) src(%dma_wait3A_96 : memref<100000x128xf32, #tpu.memory_space<hbm>>) dst(%dma_wait3A_91 : memref<128x128xf32, #tpu.memory_space<vmem>>)
    %dma_wait3A_97 = arith.constant 4 : i32
    %dma_wait3A_98 = arith.constant 0 : i32
    %dma_wait3A_99 = arith.constant 0 : i32
    %dma_wait3A_100 = tpu.memref_slice %arg8[%dma_wait3A_97, %dma_wait3A_98, %dma_wait3A_99] : memref<6x128x128xf32, #tpu.memory_space<vmem>> -> memref<1x128x128xf32, #tpu.memory_space<vmem>>
    %dma_wait3A_101 = tpu.memref_squeeze %dma_wait3A_100 : memref<1x128x128xf32, #tpu.memory_space<vmem>> -> memref<128x128xf32, #tpu.memory_space<vmem>>
    %dma_wait3A_102 = arith.constant 512 : i32
    %dma_wait3A_103 = tpu.memref_slice %arg7[%dma_wait3A_102] : memref<1024xi32, #tpu.memory_space<vmem>> -> memref<128xi32, #tpu.memory_space<vmem>>
    %dma_wait3A_104 = arith.constant 0 : i32
    %dma_wait3A_105 = arith.constant 0 : i32
    %dma_wait3A_106 = tpu.memref_slice %arg5[%dma_wait3A_104, %dma_wait3A_105] : memref<100000x128xf32, #tpu.memory_space<hbm>> -> memref<100000x128xf32, #tpu.memory_space<hbm>>
    tpu.wait_indirect_dma semaphore(%arg10 : memref<!tpu.dma_semaphore, #tpu.memory_space<semaphore_mem>>) src(%dma_wait3A_106 : memref<100000x128xf32, #tpu.memory_space<hbm>>) dst(%dma_wait3A_101 : memref<128x128xf32, #tpu.memory_space<vmem>>)
    %scan3A = arith.constant 0 : i32
    %scan3A_107 = arith.constant 0 : i32
    %scan3A_108 = arith.constant 128 : i32
    %scan3A_109 = arith.addi %scan3A_107, %scan3A_108 : i32
    %scan3A_110 = arith.constant 1 : i32
    scf.for %scan3A_338 = %scan3A_107 to %scan3A_109 step %scan3A_110  : i32 {
      %get3A = arith.constant 0 : i32
      %get3A_339 = arith.index_cast %get3A : i32 to index
      %get3A_340 = arith.index_cast %scan3A_338 : i32 to index
      %get3A_341 = arith.constant 0 : index
      %get3A_342 = tpu.vector_load %arg8[%get3A_339, %get3A_340, %get3A_341] {strides = array<i32>} : memref<6x128x128xf32, #tpu.memory_space<vmem>>, vector<1x1x16xf32>,
      %get3A_343 = vector.shape_cast %get3A_342 : vector<1x1x16xf32> to vector<16xf32>
      %get3A_344 = arith.constant 4 : i32
      %get3A_345 = arith.index_cast %get3A_344 : i32 to index
      %get3A_346 = arith.index_cast %scan3A_338 : i32 to index
      %get3A_347 = arith.constant 0 : index
      %get3A_348 = tpu.vector_load %arg8[%get3A_345, %get3A_346, %get3A_347] {strides = array<i32>} : memref<6x128x128xf32, #tpu.memory_space<vmem>>, vector<1x1x16xf32>,
      %get3A_349 = vector.shape_cast %get3A_348 : vector<1x1x16xf32> to vector<16xf32>
      %mul3A_350 = arith.mulf %get3A_343, %get3A_349 : vector<16xf32>
      %swap3A = arith.constant 0 : i32
      %swap3A_351 = arith.index_cast %swap3A : i32 to index
      %swap3A_352 = arith.index_cast %scan3A_338 : i32 to index
      %swap3A_353 = arith.constant 0 : index
      %swap3A_354 = tpu.vector_load %arg8[%swap3A_351, %swap3A_352, %swap3A_353] {strides = array<i32>} : memref<6x128x128xf32, #tpu.memory_space<vmem>>, vector<1x1x16xf32>,
      %swap3A_355 = vector.shape_cast %swap3A_354 : vector<1x1x16xf32> to vector<16xf32>
      %swap3A_356 = vector.shape_cast %mul3A_350 : vector<16xf32> to vector<1x1x16xf32>
      tpu.vector_store %arg8[%swap3A_351, %swap3A_352, %swap3A_353], %swap3A_356 {strides = array<i32>} : memref<6x128x128xf32, #tpu.memory_space<vmem>>, vector<1x1x16xf32>,
      %get3A_357 = arith.constant 0 : i32
      %get3A_358 = arith.index_cast %get3A_357 : i32 to index
      %get3A_359 = arith.index_cast %scan3A_338 : i32 to index
      %get3A_360 = arith.constant 16 : index
      %get3A_361 = tpu.vector_load %arg8[%get3A_358, %get3A_359, %get3A_360] {strides = array<i32>} : memref<6x128x128xf32, #tpu.memory_space<vmem>>, vector<1x1x16xf32>,
      %get3A_362 = vector.shape_cast %get3A_361 : vector<1x1x16xf32> to vector<16xf32>
      %get3A_363 = arith.constant 4 : i32
      %get3A_364 = arith.index_cast %get3A_363 : i32 to index
      %get3A_365 = arith.index_cast %scan3A_338 : i32 to index
      %get3A_366 = arith.constant 16 : index
      %get3A_367 = tpu.vector_load %arg8[%get3A_364, %get3A_365, %get3A_366] {strides = array<i32>} : memref<6x128x128xf32, #tpu.memory_space<vmem>>, vector<1x1x16xf32>,
      %get3A_368 = vector.shape_cast %get3A_367 : vector<1x1x16xf32> to vector<16xf32>
      %mul3A_369 = arith.mulf %get3A_362, %get3A_368 : vector<16xf32>
      %swap3A_370 = arith.constant 0 : i32
      %swap3A_371 = arith.index_cast %swap3A_370 : i32 to index
      %swap3A_372 = arith.index_cast %scan3A_338 : i32 to index
      %swap3A_373 = arith.constant 16 : index
      %swap3A_374 = tpu.vector_load %arg8[%swap3A_371, %swap3A_372, %swap3A_373] {strides = array<i32>} : memref<6x128x128xf32, #tpu.memory_space<vmem>>, vector<1x1x16xf32>,
      %swap3A_375 = vector.shape_cast %swap3A_374 : vector<1x1x16xf32> to vector<16xf32>
      %swap3A_376 = vector.shape_cast %mul3A_369 : vector<16xf32> to vector<1x1x16xf32>
      tpu.vector_store %arg8[%swap3A_371, %swap3A_372, %swap3A_373], %swap3A_376 {strides = array<i32>} : memref<6x128x128xf32, #tpu.memory_space<vmem>>, vector<1x1x16xf32>,
      %get3A_377 = arith.constant 0 : i32
      %get3A_378 = arith.index_cast %get3A_377 : i32 to index
      %get3A_379 = arith.index_cast %scan3A_338 : i32 to index
      %get3A_380 = arith.constant 32 : index
      %get3A_381 = tpu.vector_load %arg8[%get3A_378, %get3A_379, %get3A_380] {strides = array<i32>} : memref<6x128x128xf32, #tpu.memory_space<vmem>>, vector<1x1x16xf32>,
      %get3A_382 = vector.shape_cast %get3A_381 : vector<1x1x16xf32> to vector<16xf32>
      %get3A_383 = arith.constant 4 : i32
      %get3A_384 = arith.index_cast %get3A_383 : i32 to index
      %get3A_385 = arith.index_cast %scan3A_338 : i32 to index
      %get3A_386 = arith.constant 32 : index
      %get3A_387 = tpu.vector_load %arg8[%get3A_384, %get3A_385, %get3A_386] {strides = array<i32>} : memref<6x128x128xf32, #tpu.memory_space<vmem>>, vector<1x1x16xf32>,
      %get3A_388 = vector.shape_cast %get3A_387 : vector<1x1x16xf32> to vector<16xf32>
      %mul3A_389 = arith.mulf %get3A_382, %get3A_388 : vector<16xf32>
      %swap3A_390 = arith.constant 0 : i32
      %swap3A_391 = arith.index_cast %swap3A_390 : i32 to index
      %swap3A_392 = arith.index_cast %scan3A_338 : i32 to index
      %swap3A_393 = arith.constant 32 : index
      %swap3A_394 = tpu.vector_load %arg8[%swap3A_391, %swap3A_392, %swap3A_393] {strides = array<i32>} : memref<6x128x128xf32, #tpu.memory_space<vmem>>, vector<1x1x16xf32>,
      %swap3A_395 = vector.shape_cast %swap3A_394 : vector<1x1x16xf32> to vector<16xf32>
      %swap3A_396 = vector.shape_cast %mul3A_389 : vector<16xf32> to vector<1x1x16xf32>
      tpu.vector_store %arg8[%swap3A_391, %swap3A_392, %swap3A_393], %swap3A_396 {strides = array<i32>} : memref<6x128x128xf32, #tpu.memory_space<vmem>>, vector<1x1x16xf32>,
      %get3A_397 = arith.constant 0 : i32
      %get3A_398 = arith.index_cast %get3A_397 : i32 to index
      %get3A_399 = arith.index_cast %scan3A_338 : i32 to index
      %get3A_400 = arith.constant 48 : index
      %get3A_401 = tpu.vector_load %arg8[%get3A_398, %get3A_399, %get3A_400] {strides = array<i32>} : memref<6x128x128xf32, #tpu.memory_space<vmem>>, vector<1x1x16xf32>,
      %get3A_402 = vector.shape_cast %get3A_401 : vector<1x1x16xf32> to vector<16xf32>
      %get3A_403 = arith.constant 4 : i32
      %get3A_404 = arith.index_cast %get3A_403 : i32 to index
      %get3A_405 = arith.index_cast %scan3A_338 : i32 to index
      %get3A_406 = arith.constant 48 : index
      %get3A_407 = tpu.vector_load %arg8[%get3A_404, %get3A_405, %get3A_406] {strides = array<i32>} : memref<6x128x128xf32, #tpu.memory_space<vmem>>, vector<1x1x16xf32>,
      %get3A_408 = vector.shape_cast %get3A_407 : vector<1x1x16xf32> to vector<16xf32>
      %mul3A_409 = arith.mulf %get3A_402, %get3A_408 : vector<16xf32>
      %swap3A_410 = arith.constant 0 : i32
      %swap3A_411 = arith.index_cast %swap3A_410 : i32 to index
      %swap3A_412 = arith.index_cast %scan3A_338 : i32 to index
      %swap3A_413 = arith.constant 48 : index
      %swap3A_414 = tpu.vector_load %arg8[%swap3A_411, %swap3A_412, %swap3A_413] {strides = array<i32>} : memref<6x128x128xf32, #tpu.memory_space<vmem>>, vector<1x1x16xf32>,
      %swap3A_415 = vector.shape_cast %swap3A_414 : vector<1x1x16xf32> to vector<16xf32>
      %swap3A_416 = vector.shape_cast %mul3A_409 : vector<16xf32> to vector<1x1x16xf32>
      tpu.vector_store %arg8[%swap3A_411, %swap3A_412, %swap3A_413], %swap3A_416 {strides = array<i32>} : memref<6x128x128xf32, #tpu.memory_space<vmem>>, vector<1x1x16xf32>,
      %get3A_417 = arith.constant 0 : i32
      %get3A_418 = arith.index_cast %get3A_417 : i32 to index
      %get3A_419 = arith.index_cast %scan3A_338 : i32 to index
      %get3A_420 = arith.constant 64 : index
      %get3A_421 = tpu.vector_load %arg8[%get3A_418, %get3A_419, %get3A_420] {strides = array<i32>} : memref<6x128x128xf32, #tpu.memory_space<vmem>>, vector<1x1x16xf32>,
      %get3A_422 = vector.shape_cast %get3A_421 : vector<1x1x16xf32> to vector<16xf32>
      %get3A_423 = arith.constant 4 : i32
      %get3A_424 = arith.index_cast %get3A_423 : i32 to index
      %get3A_425 = arith.index_cast %scan3A_338 : i32 to index
      %get3A_426 = arith.constant 64 : index
      %get3A_427 = tpu.vector_load %arg8[%get3A_424, %get3A_425, %get3A_426] {strides = array<i32>} : memref<6x128x128xf32, #tpu.memory_space<vmem>>, vector<1x1x16xf32>,
      %get3A_428 = vector.shape_cast %get3A_427 : vector<1x1x16xf32> to vector<16xf32>
      %mul3A_429 = arith.mulf %get3A_422, %get3A_428 : vector<16xf32>
      %swap3A_430 = arith.constant 0 : i32
      %swap3A_431 = arith.index_cast %swap3A_430 : i32 to index
      %swap3A_432 = arith.index_cast %scan3A_338 : i32 to index
      %swap3A_433 = arith.constant 64 : index
      %swap3A_434 = tpu.vector_load %arg8[%swap3A_431, %swap3A_432, %swap3A_433] {strides = array<i32>} : memref<6x128x128xf32, #tpu.memory_space<vmem>>, vector<1x1x16xf32>,
      %swap3A_435 = vector.shape_cast %swap3A_434 : vector<1x1x16xf32> to vector<16xf32>
      %swap3A_436 = vector.shape_cast %mul3A_429 : vector<16xf32> to vector<1x1x16xf32>
      tpu.vector_store %arg8[%swap3A_431, %swap3A_432, %swap3A_433], %swap3A_436 {strides = array<i32>} : memref<6x128x128xf32, #tpu.memory_space<vmem>>, vector<1x1x16xf32>,
      %get3A_437 = arith.constant 0 : i32
      %get3A_438 = arith.index_cast %get3A_437 : i32 to index
      %get3A_439 = arith.index_cast %scan3A_338 : i32 to index
      %get3A_440 = arith.constant 80 : index
      %get3A_441 = tpu.vector_load %arg8[%get3A_438, %get3A_439, %get3A_440] {strides = array<i32>} : memref<6x128x128xf32, #tpu.memory_space<vmem>>, vector<1x1x16xf32>,
      %get3A_442 = vector.shape_cast %get3A_441 : vector<1x1x16xf32> to vector<16xf32>
      %get3A_443 = arith.constant 4 : i32
      %get3A_444 = arith.index_cast %get3A_443 : i32 to index
      %get3A_445 = arith.index_cast %scan3A_338 : i32 to index
      %get3A_446 = arith.constant 80 : index
      %get3A_447 = tpu.vector_load %arg8[%get3A_444, %get3A_445, %get3A_446] {strides = array<i32>} : memref<6x128x128xf32, #tpu.memory_space<vmem>>, vector<1x1x16xf32>,
      %get3A_448 = vector.shape_cast %get3A_447 : vector<1x1x16xf32> to vector<16xf32>
      %mul3A_449 = arith.mulf %get3A_442, %get3A_448 : vector<16xf32>
      %swap3A_450 = arith.constant 0 : i32
      %swap3A_451 = arith.index_cast %swap3A_450 : i32 to index
      %swap3A_452 = arith.index_cast %scan3A_338 : i32 to index
      %swap3A_453 = arith.constant 80 : index
      %swap3A_454 = tpu.vector_load %arg8[%swap3A_451, %swap3A_452, %swap3A_453] {strides = array<i32>} : memref<6x128x128xf32, #tpu.memory_space<vmem>>, vector<1x1x16xf32>,
      %swap3A_455 = vector.shape_cast %swap3A_454 : vector<1x1x16xf32> to vector<16xf32>
      %swap3A_456 = vector.shape_cast %mul3A_449 : vector<16xf32> to vector<1x1x16xf32>
      tpu.vector_store %arg8[%swap3A_451, %swap3A_452, %swap3A_453], %swap3A_456 {strides = array<i32>} : memref<6x128x128xf32, #tpu.memory_space<vmem>>, vector<1x1x16xf32>,
      %get3A_457 = arith.constant 0 : i32
      %get3A_458 = arith.index_cast %get3A_457 : i32 to index
      %get3A_459 = arith.index_cast %scan3A_338 : i32 to index
      %get3A_460 = arith.constant 96 : index
      %get3A_461 = tpu.vector_load %arg8[%get3A_458, %get3A_459, %get3A_460] {strides = array<i32>} : memref<6x128x128xf32, #tpu.memory_space<vmem>>, vector<1x1x16xf32>,
      %get3A_462 = vector.shape_cast %get3A_461 : vector<1x1x16xf32> to vector<16xf32>
      %get3A_463 = arith.constant 4 : i32
      %get3A_464 = arith.index_cast %get3A_463 : i32 to index
      %get3A_465 = arith.index_cast %scan3A_338 : i32 to index
      %get3A_466 = arith.constant 96 : index
      %get3A_467 = tpu.vector_load %arg8[%get3A_464, %get3A_465, %get3A_466] {strides = array<i32>} : memref<6x128x128xf32, #tpu.memory_space<vmem>>, vector<1x1x16xf32>,
      %get3A_468 = vector.shape_cast %get3A_467 : vector<1x1x16xf32> to vector<16xf32>
      %mul3A_469 = arith.mulf %get3A_462, %get3A_468 : vector<16xf32>
      %swap3A_470 = arith.constant 0 : i32
      %swap3A_471 = arith.index_cast %swap3A_470 : i32 to index
      %swap3A_472 = arith.index_cast %scan3A_338 : i32 to index
      %swap3A_473 = arith.constant 96 : index
      %swap3A_474 = tpu.vector_load %arg8[%swap3A_471, %swap3A_472, %swap3A_473] {strides = array<i32>} : memref<6x128x128xf32, #tpu.memory_space<vmem>>, vector<1x1x16xf32>,
      %swap3A_475 = vector.shape_cast %swap3A_474 : vector<1x1x16xf32> to vector<16xf32>
      %swap3A_476 = vector.shape_cast %mul3A_469 : vector<16xf32> to vector<1x1x16xf32>
      tpu.vector_store %arg8[%swap3A_471, %swap3A_472, %swap3A_473], %swap3A_476 {strides = array<i32>} : memref<6x128x128xf32, #tpu.memory_space<vmem>>, vector<1x1x16xf32>,
      %get3A_477 = arith.constant 0 : i32
      %get3A_478 = arith.index_cast %get3A_477 : i32 to index
      %get3A_479 = arith.index_cast %scan3A_338 : i32 to index
      %get3A_480 = arith.constant 112 : index
      %get3A_481 = tpu.vector_load %arg8[%get3A_478, %get3A_479, %get3A_480] {strides = array<i32>} : memref<6x128x128xf32, #tpu.memory_space<vmem>>, vector<1x1x16xf32>,
      %get3A_482 = vector.shape_cast %get3A_481 : vector<1x1x16xf32> to vector<16xf32>
      %get3A_483 = arith.constant 4 : i32
      %get3A_484 = arith.index_cast %get3A_483 : i32 to index
      %get3A_485 = arith.index_cast %scan3A_338 : i32 to index
      %get3A_486 = arith.constant 112 : index
      %get3A_487 = tpu.vector_load %arg8[%get3A_484, %get3A_485, %get3A_486] {strides = array<i32>} : memref<6x128x128xf32, #tpu.memory_space<vmem>>, vector<1x1x16xf32>,
      %get3A_488 = vector.shape_cast %get3A_487 : vector<1x1x16xf32> to vector<16xf32>
      %mul3A_489 = arith.mulf %get3A_482, %get3A_488 : vector<16xf32>
      %swap3A_490 = arith.constant 0 : i32
      %swap3A_491 = arith.index_cast %swap3A_490 : i32 to index
      %swap3A_492 = arith.index_cast %scan3A_338 : i32 to index
      %swap3A_493 = arith.constant 112 : index
      %swap3A_494 = tpu.vector_load %arg8[%swap3A_491, %swap3A_492, %swap3A_493] {strides = array<i32>} : memref<6x128x128xf32, #tpu.memory_space<vmem>>, vector<1x1x16xf32>,
      %swap3A_495 = vector.shape_cast %swap3A_494 : vector<1x1x16xf32> to vector<16xf32>
      %swap3A_496 = vector.shape_cast %mul3A_489 : vector<16xf32> to vector<1x1x16xf32>
      tpu.vector_store %arg8[%swap3A_491, %swap3A_492, %swap3A_493], %swap3A_496 {strides = array<i32>} : memref<6x128x128xf32, #tpu.memory_space<vmem>>, vector<1x1x16xf32>,
    }
    %scan3A_111 = arith.constant 128 : i32
    %dma_start3A_112 = arith.constant 4 : i32
    %dma_start3A_113 = arith.constant 0 : i32
    %dma_start3A_114 = arith.constant 0 : i32
    %dma_start3A_115 = tpu.memref_slice %arg8[%dma_start3A_112, %dma_start3A_113, %dma_start3A_114] : memref<6x128x128xf32, #tpu.memory_space<vmem>> -> memref<1x128x128xf32, #tpu.memory_space<vmem>>
    %dma_start3A_116 = tpu.memref_squeeze %dma_start3A_115 : memref<1x128x128xf32, #tpu.memory_space<vmem>> -> memref<128x128xf32, #tpu.memory_space<vmem>>
    %dma_start3A_117 = arith.constant 768 : i32
    %dma_start3A_118 = tpu.memref_slice %arg7[%dma_start3A_117] : memref<1024xi32, #tpu.memory_space<vmem>> -> memref<128xi32, #tpu.memory_space<vmem>>
    %dma_start3A_119 = arith.constant 0 : i32
    %dma_start3A_120 = arith.constant 0 : i32
    %dma_start3A_121 = tpu.memref_slice %arg5[%dma_start3A_119, %dma_start3A_120] : memref<100000x128xf32, #tpu.memory_space<hbm>> -> memref<100000x128xf32, #tpu.memory_space<hbm>>
    tpu.enqueue_indirect_dma source(%dma_start3A_121 : memref<100000x128xf32, #tpu.memory_space<hbm>>) target(%dma_start3A_116 : memref<128x128xf32, #tpu.memory_space<vmem>>) offsets(%dma_start3A_118 : memref<128xi32, #tpu.memory_space<vmem>>) semaphore(%arg10 : memref<!tpu.dma_semaphore, #tpu.memory_space<semaphore_mem>>)
    %mul3A_122 = arith.constant 4 : i32
    %mul3A_123 = arith.muli %add3A, %mul3A_122 : i32
    %add3A_124 = arith.constant 0 : i32
    %add3A_125 = arith.addi %mul3A_123, %add3A_124 : i32
    %mul3A_126 = arith.constant 128 : i32
    %mul3A_127 = arith.muli %add3A_125, %mul3A_126 : i32
    %dma_start3A_128 = arith.constant 0 : i32
    %dma_start3A_129 = arith.constant 0 : i32
    %dma_start3A_130 = arith.constant 0 : i32
    %dma_start3A_131 = tpu.memref_slice %arg8[%dma_start3A_128, %dma_start3A_129, %dma_start3A_130] : memref<6x128x128xf32, #tpu.memory_space<vmem>> -> memref<1x128x128xf32, #tpu.memory_space<vmem>>
    %dma_start3A_132 = tpu.memref_squeeze %dma_start3A_131 : memref<1x128x128xf32, #tpu.memory_space<vmem>> -> memref<128x128xf32, #tpu.memory_space<vmem>>
    %dma_start3A_133 = arith.constant 0 : i32
    %dma_start3A_134 = tpu.memref_slice %arg6[%mul3A_127, %dma_start3A_133] : memref<16384x128xf32, #tpu.memory_space<hbm>> -> memref<128x128xf32, #tpu.memory_space<hbm>>
    %dma_start3A_135 = arith.constant 0 : i32
    %dma_start3A_136 = tpu.memref_slice %arg6[%mul3A_127, %dma_start3A_135] : memref<16384x128xf32, #tpu.memory_space<hbm>> -> memref<128x128xf32, #tpu.memory_space<hbm>>
    %dma_start3A_137 = arith.constant 0 : i32
    %dma_start3A_138 = arith.constant 0 : i32
    %dma_start3A_139 = tpu.memref_slice %arg8[%dma_start3A_128, %dma_start3A_137, %dma_start3A_138] : memref<6x128x128xf32, #tpu.memory_space<vmem>> -> memref<1x128x128xf32, #tpu.memory_space<vmem>>
    %dma_start3A_140 = tpu.memref_squeeze %dma_start3A_139 : memref<1x128x128xf32, #tpu.memory_space<vmem>> -> memref<128x128xf32, #tpu.memory_space<vmem>>
    tpu.enqueue_dma source(%dma_start3A_140 : memref<128x128xf32, #tpu.memory_space<vmem>>) target(%dma_start3A_136 : memref<128x128xf32, #tpu.memory_space<hbm>>) target_semaphore(%arg9 : memref<!tpu.dma_semaphore, #tpu.memory_space<semaphore_mem>>)
    %dma_wait3A_141 = arith.constant 1 : i32
    %dma_wait3A_142 = arith.constant 0 : i32
    %dma_wait3A_143 = arith.constant 0 : i32
    %dma_wait3A_144 = tpu.memref_slice %arg8[%dma_wait3A_141, %dma_wait3A_142, %dma_wait3A_143] : memref<6x128x128xf32, #tpu.memory_space<vmem>> -> memref<1x128x128xf32, #tpu.memory_space<vmem>>
    %dma_wait3A_145 = tpu.memref_squeeze %dma_wait3A_144 : memref<1x128x128xf32, #tpu.memory_space<vmem>> -> memref<128x128xf32, #tpu.memory_space<vmem>>
    %dma_wait3A_146 = arith.constant 128 : i32
    %dma_wait3A_147 = tpu.memref_slice %arg7[%dma_wait3A_146] : memref<1024xi32, #tpu.memory_space<vmem>> -> memref<128xi32, #tpu.memory_space<vmem>>
    %dma_wait3A_148 = arith.constant 0 : i32
    %dma_wait3A_149 = arith.constant 0 : i32
    %dma_wait3A_150 = tpu.memref_slice %arg4[%dma_wait3A_148, %dma_wait3A_149] : memref<100000x128xf32, #tpu.memory_space<hbm>> -> memref<100000x128xf32, #tpu.memory_space<hbm>>
    tpu.wait_indirect_dma semaphore(%arg9 : memref<!tpu.dma_semaphore, #tpu.memory_space<semaphore_mem>>) src(%dma_wait3A_150 : memref<100000x128xf32, #tpu.memory_space<hbm>>) dst(%dma_wait3A_145 : memref<128x128xf32, #tpu.memory_space<vmem>>)
    %dma_wait3A_151 = arith.constant 5 : i32
    %dma_wait3A_152 = arith.constant 0 : i32
    %dma_wait3A_153 = arith.constant 0 : i32
    %dma_wait3A_154 = tpu.memref_slice %arg8[%dma_wait3A_151, %dma_wait3A_152, %dma_wait3A_153] : memref<6x128x128xf32, #tpu.memory_space<vmem>> -> memref<1x128x128xf32, #tpu.memory_space<vmem>>
    %dma_wait3A_155 = tpu.memref_squeeze %dma_wait3A_154 : memref<1x128x128xf32, #tpu.memory_space<vmem>> -> memref<128x128xf32, #tpu.memory_space<vmem>>
    %dma_wait3A_156 = arith.constant 640 : i32
    %dma_wait3A_157 = tpu.memref_slice %arg7[%dma_wait3A_156] : memref<1024xi32, #tpu.memory_space<vmem>> -> memref<128xi32, #tpu.memory_space<vmem>>
    %dma_wait3A_158 = arith.constant 0 : i32
    %dma_wait3A_159 = arith.constant 0 : i32
    %dma_wait3A_160 = tpu.memref_slice %arg5[%dma_wait3A_158, %dma_wait3A_159] : memref<100000x128xf32, #tpu.memory_space<hbm>> -> memref<100000x128xf32, #tpu.memory_space<hbm>>
    tpu.wait_indirect_dma semaphore(%arg10 : memref<!tpu.dma_semaphore, #tpu.memory_space<semaphore_mem>>) src(%dma_wait3A_160 : memref<100000x128xf32, #tpu.memory_space<hbm>>) dst(%dma_wait3A_155 : memref<128x128xf32, #tpu.memory_space<vmem>>)
    %scan3A_161 = arith.constant 0 : i32
    %scan3A_162 = arith.constant 0 : i32
    %scan3A_163 = arith.constant 128 : i32
    %scan3A_164 = arith.addi %scan3A_162, %scan3A_163 : i32
    %scan3A_165 = arith.constant 1 : i32
    scf.for %scan3A_338 = %scan3A_162 to %scan3A_164 step %scan3A_165  : i32 {
      %get3A = arith.constant 1 : i32
      %get3A_339 = arith.index_cast %get3A : i32 to index
      %get3A_340 = arith.index_cast %scan3A_338 : i32 to index
      %get3A_341 = arith.constant 0 : index
      %get3A_342 = tpu.vector_load %arg8[%get3A_339, %get3A_340, %get3A_341] {strides = array<i32>} : memref<6x128x128xf32, #tpu.memory_space<vmem>>, vector<1x1x16xf32>,
      %get3A_343 = vector.shape_cast %get3A_342 : vector<1x1x16xf32> to vector<16xf32>
      %get3A_344 = arith.constant 5 : i32
      %get3A_345 = arith.index_cast %get3A_344 : i32 to index
      %get3A_346 = arith.index_cast %scan3A_338 : i32 to index
      %get3A_347 = arith.constant 0 : index
      %get3A_348 = tpu.vector_load %arg8[%get3A_345, %get3A_346, %get3A_347] {strides = array<i32>} : memref<6x128x128xf32, #tpu.memory_space<vmem>>, vector<1x1x16xf32>,
      %get3A_349 = vector.shape_cast %get3A_348 : vector<1x1x16xf32> to vector<16xf32>
      %mul3A_350 = arith.mulf %get3A_343, %get3A_349 : vector<16xf32>
      %swap3A = arith.constant 1 : i32
      %swap3A_351 = arith.index_cast %swap3A : i32 to index
      %swap3A_352 = arith.index_cast %scan3A_338 : i32 to index
      %swap3A_353 = arith.constant 0 : index
      %swap3A_354 = tpu.vector_load %arg8[%swap3A_351, %swap3A_352, %swap3A_353] {strides = array<i32>} : memref<6x128x128xf32, #tpu.memory_space<vmem>>, vector<1x1x16xf32>,
      %swap3A_355 = vector.shape_cast %swap3A_354 : vector<1x1x16xf32> to vector<16xf32>
      %swap3A_356 = vector.shape_cast %mul3A_350 : vector<16xf32> to vector<1x1x16xf32>
      tpu.vector_store %arg8[%swap3A_351, %swap3A_352, %swap3A_353], %swap3A_356 {strides = array<i32>} : memref<6x128x128xf32, #tpu.memory_space<vmem>>, vector<1x1x16xf32>,
      %get3A_357 = arith.constant 1 : i32
      %get3A_358 = arith.index_cast %get3A_357 : i32 to index
      %get3A_359 = arith.index_cast %scan3A_338 : i32 to index
      %get3A_360 = arith.constant 16 : index
      %get3A_361 = tpu.vector_load %arg8[%get3A_358, %get3A_359, %get3A_360] {strides = array<i32>} : memref<6x128x128xf32, #tpu.memory_space<vmem>>, vector<1x1x16xf32>,
      %get3A_362 = vector.shape_cast %get3A_361 : vector<1x1x16xf32> to vector<16xf32>
      %get3A_363 = arith.constant 5 : i32
      %get3A_364 = arith.index_cast %get3A_363 : i32 to index
      %get3A_365 = arith.index_cast %scan3A_338 : i32 to index
      %get3A_366 = arith.constant 16 : index
      %get3A_367 = tpu.vector_load %arg8[%get3A_364, %get3A_365, %get3A_366] {strides = array<i32>} : memref<6x128x128xf32, #tpu.memory_space<vmem>>, vector<1x1x16xf32>,
      %get3A_368 = vector.shape_cast %get3A_367 : vector<1x1x16xf32> to vector<16xf32>
      %mul3A_369 = arith.mulf %get3A_362, %get3A_368 : vector<16xf32>
      %swap3A_370 = arith.constant 1 : i32
      %swap3A_371 = arith.index_cast %swap3A_370 : i32 to index
      %swap3A_372 = arith.index_cast %scan3A_338 : i32 to index
      %swap3A_373 = arith.constant 16 : index
      %swap3A_374 = tpu.vector_load %arg8[%swap3A_371, %swap3A_372, %swap3A_373] {strides = array<i32>} : memref<6x128x128xf32, #tpu.memory_space<vmem>>, vector<1x1x16xf32>,
      %swap3A_375 = vector.shape_cast %swap3A_374 : vector<1x1x16xf32> to vector<16xf32>
      %swap3A_376 = vector.shape_cast %mul3A_369 : vector<16xf32> to vector<1x1x16xf32>
      tpu.vector_store %arg8[%swap3A_371, %swap3A_372, %swap3A_373], %swap3A_376 {strides = array<i32>} : memref<6x128x128xf32, #tpu.memory_space<vmem>>, vector<1x1x16xf32>,
      %get3A_377 = arith.constant 1 : i32
      %get3A_378 = arith.index_cast %get3A_377 : i32 to index
      %get3A_379 = arith.index_cast %scan3A_338 : i32 to index
      %get3A_380 = arith.constant 32 : index
      %get3A_381 = tpu.vector_load %arg8[%get3A_378, %get3A_379, %get3A_380] {strides = array<i32>} : memref<6x128x128xf32, #tpu.memory_space<vmem>>, vector<1x1x16xf32>,
      %get3A_382 = vector.shape_cast %get3A_381 : vector<1x1x16xf32> to vector<16xf32>
      %get3A_383 = arith.constant 5 : i32
      %get3A_384 = arith.index_cast %get3A_383 : i32 to index
      %get3A_385 = arith.index_cast %scan3A_338 : i32 to index
      %get3A_386 = arith.constant 32 : index
      %get3A_387 = tpu.vector_load %arg8[%get3A_384, %get3A_385, %get3A_386] {strides = array<i32>} : memref<6x128x128xf32, #tpu.memory_space<vmem>>, vector<1x1x16xf32>,
      %get3A_388 = vector.shape_cast %get3A_387 : vector<1x1x16xf32> to vector<16xf32>
      %mul3A_389 = arith.mulf %get3A_382, %get3A_388 : vector<16xf32>
      %swap3A_390 = arith.constant 1 : i32
      %swap3A_391 = arith.index_cast %swap3A_390 : i32 to index
      %swap3A_392 = arith.index_cast %scan3A_338 : i32 to index
      %swap3A_393 = arith.constant 32 : index
      %swap3A_394 = tpu.vector_load %arg8[%swap3A_391, %swap3A_392, %swap3A_393] {strides = array<i32>} : memref<6x128x128xf32, #tpu.memory_space<vmem>>, vector<1x1x16xf32>,
      %swap3A_395 = vector.shape_cast %swap3A_394 : vector<1x1x16xf32> to vector<16xf32>
      %swap3A_396 = vector.shape_cast %mul3A_389 : vector<16xf32> to vector<1x1x16xf32>
      tpu.vector_store %arg8[%swap3A_391, %swap3A_392, %swap3A_393], %swap3A_396 {strides = array<i32>} : memref<6x128x128xf32, #tpu.memory_space<vmem>>, vector<1x1x16xf32>,
      %get3A_397 = arith.constant 1 : i32
      %get3A_398 = arith.index_cast %get3A_397 : i32 to index
      %get3A_399 = arith.index_cast %scan3A_338 : i32 to index
      %get3A_400 = arith.constant 48 : index
      %get3A_401 = tpu.vector_load %arg8[%get3A_398, %get3A_399, %get3A_400] {strides = array<i32>} : memref<6x128x128xf32, #tpu.memory_space<vmem>>, vector<1x1x16xf32>,
      %get3A_402 = vector.shape_cast %get3A_401 : vector<1x1x16xf32> to vector<16xf32>
      %get3A_403 = arith.constant 5 : i32
      %get3A_404 = arith.index_cast %get3A_403 : i32 to index
      %get3A_405 = arith.index_cast %scan3A_338 : i32 to index
      %get3A_406 = arith.constant 48 : index
      %get3A_407 = tpu.vector_load %arg8[%get3A_404, %get3A_405, %get3A_406] {strides = array<i32>} : memref<6x128x128xf32, #tpu.memory_space<vmem>>, vector<1x1x16xf32>,
      %get3A_408 = vector.shape_cast %get3A_407 : vector<1x1x16xf32> to vector<16xf32>
      %mul3A_409 = arith.mulf %get3A_402, %get3A_408 : vector<16xf32>
      %swap3A_410 = arith.constant 1 : i32
      %swap3A_411 = arith.index_cast %swap3A_410 : i32 to index
      %swap3A_412 = arith.index_cast %scan3A_338 : i32 to index
      %swap3A_413 = arith.constant 48 : index
      %swap3A_414 = tpu.vector_load %arg8[%swap3A_411, %swap3A_412, %swap3A_413] {strides = array<i32>} : memref<6x128x128xf32, #tpu.memory_space<vmem>>, vector<1x1x16xf32>,
      %swap3A_415 = vector.shape_cast %swap3A_414 : vector<1x1x16xf32> to vector<16xf32>
      %swap3A_416 = vector.shape_cast %mul3A_409 : vector<16xf32> to vector<1x1x16xf32>
      tpu.vector_store %arg8[%swap3A_411, %swap3A_412, %swap3A_413], %swap3A_416 {strides = array<i32>} : memref<6x128x128xf32, #tpu.memory_space<vmem>>, vector<1x1x16xf32>,
      %get3A_417 = arith.constant 1 : i32
      %get3A_418 = arith.index_cast %get3A_417 : i32 to index
      %get3A_419 = arith.index_cast %scan3A_338 : i32 to index
      %get3A_420 = arith.constant 64 : index
      %get3A_421 = tpu.vector_load %arg8[%get3A_418, %get3A_419, %get3A_420] {strides = array<i32>} : memref<6x128x128xf32, #tpu.memory_space<vmem>>, vector<1x1x16xf32>,
      %get3A_422 = vector.shape_cast %get3A_421 : vector<1x1x16xf32> to vector<16xf32>
      %get3A_423 = arith.constant 5 : i32
      %get3A_424 = arith.index_cast %get3A_423 : i32 to index
      %get3A_425 = arith.index_cast %scan3A_338 : i32 to index
      %get3A_426 = arith.constant 64 : index
      %get3A_427 = tpu.vector_load %arg8[%get3A_424, %get3A_425, %get3A_426] {strides = array<i32>} : memref<6x128x128xf32, #tpu.memory_space<vmem>>, vector<1x1x16xf32>,
      %get3A_428 = vector.shape_cast %get3A_427 : vector<1x1x16xf32> to vector<16xf32>
      %mul3A_429 = arith.mulf %get3A_422, %get3A_428 : vector<16xf32>
      %swap3A_430 = arith.constant 1 : i32
      %swap3A_431 = arith.index_cast %swap3A_430 : i32 to index
      %swap3A_432 = arith.index_cast %scan3A_338 : i32 to index
      %swap3A_433 = arith.constant 64 : index
      %swap3A_434 = tpu.vector_load %arg8[%swap3A_431, %swap3A_432, %swap3A_433] {strides = array<i32>} : memref<6x128x128xf32, #tpu.memory_space<vmem>>, vector<1x1x16xf32>,
      %swap3A_435 = vector.shape_cast %swap3A_434 : vector<1x1x16xf32> to vector<16xf32>
      %swap3A_436 = vector.shape_cast %mul3A_429 : vector<16xf32> to vector<1x1x16xf32>
      tpu.vector_store %arg8[%swap3A_431, %swap3A_432, %swap3A_433], %swap3A_436 {strides = array<i32>} : memref<6x128x128xf32, #tpu.memory_space<vmem>>, vector<1x1x16xf32>,
      %get3A_437 = arith.constant 1 : i32
      %get3A_438 = arith.index_cast %get3A_437 : i32 to index
      %get3A_439 = arith.index_cast %scan3A_338 : i32 to index
      %get3A_440 = arith.constant 80 : index
      %get3A_441 = tpu.vector_load %arg8[%get3A_438, %get3A_439, %get3A_440] {strides = array<i32>} : memref<6x128x128xf32, #tpu.memory_space<vmem>>, vector<1x1x16xf32>,
      %get3A_442 = vector.shape_cast %get3A_441 : vector<1x1x16xf32> to vector<16xf32>
      %get3A_443 = arith.constant 5 : i32
      %get3A_444 = arith.index_cast %get3A_443 : i32 to index
      %get3A_445 = arith.index_cast %scan3A_338 : i32 to index
      %get3A_446 = arith.constant 80 : index
      %get3A_447 = tpu.vector_load %arg8[%get3A_444, %get3A_445, %get3A_446] {strides = array<i32>} : memref<6x128x128xf32, #tpu.memory_space<vmem>>, vector<1x1x16xf32>,
      %get3A_448 = vector.shape_cast %get3A_447 : vector<1x1x16xf32> to vector<16xf32>
      %mul3A_449 = arith.mulf %get3A_442, %get3A_448 : vector<16xf32>
      %swap3A_450 = arith.constant 1 : i32
      %swap3A_451 = arith.index_cast %swap3A_450 : i32 to index
      %swap3A_452 = arith.index_cast %scan3A_338 : i32 to index
      %swap3A_453 = arith.constant 80 : index
      %swap3A_454 = tpu.vector_load %arg8[%swap3A_451, %swap3A_452, %swap3A_453] {strides = array<i32>} : memref<6x128x128xf32, #tpu.memory_space<vmem>>, vector<1x1x16xf32>,
      %swap3A_455 = vector.shape_cast %swap3A_454 : vector<1x1x16xf32> to vector<16xf32>
      %swap3A_456 = vector.shape_cast %mul3A_449 : vector<16xf32> to vector<1x1x16xf32>
      tpu.vector_store %arg8[%swap3A_451, %swap3A_452, %swap3A_453], %swap3A_456 {strides = array<i32>} : memref<6x128x128xf32, #tpu.memory_space<vmem>>, vector<1x1x16xf32>,
      %get3A_457 = arith.constant 1 : i32
      %get3A_458 = arith.index_cast %get3A_457 : i32 to index
      %get3A_459 = arith.index_cast %scan3A_338 : i32 to index
      %get3A_460 = arith.constant 96 : index
      %get3A_461 = tpu.vector_load %arg8[%get3A_458, %get3A_459, %get3A_460] {strides = array<i32>} : memref<6x128x128xf32, #tpu.memory_space<vmem>>, vector<1x1x16xf32>,
      %get3A_462 = vector.shape_cast %get3A_461 : vector<1x1x16xf32> to vector<16xf32>
      %get3A_463 = arith.constant 5 : i32
      %get3A_464 = arith.index_cast %get3A_463 : i32 to index
      %get3A_465 = arith.index_cast %scan3A_338 : i32 to index
      %get3A_466 = arith.constant 96 : index
      %get3A_467 = tpu.vector_load %arg8[%get3A_464, %get3A_465, %get3A_466] {strides = array<i32>} : memref<6x128x128xf32, #tpu.memory_space<vmem>>, vector<1x1x16xf32>,
      %get3A_468 = vector.shape_cast %get3A_467 : vector<1x1x16xf32> to vector<16xf32>
      %mul3A_469 = arith.mulf %get3A_462, %get3A_468 : vector<16xf32>
      %swap3A_470 = arith.constant 1 : i32
      %swap3A_471 = arith.index_cast %swap3A_470 : i32 to index
      %swap3A_472 = arith.index_cast %scan3A_338 : i32 to index
      %swap3A_473 = arith.constant 96 : index
      %swap3A_474 = tpu.vector_load %arg8[%swap3A_471, %swap3A_472, %swap3A_473] {strides = array<i32>} : memref<6x128x128xf32, #tpu.memory_space<vmem>>, vector<1x1x16xf32>,
      %swap3A_475 = vector.shape_cast %swap3A_474 : vector<1x1x16xf32> to vector<16xf32>
      %swap3A_476 = vector.shape_cast %mul3A_469 : vector<16xf32> to vector<1x1x16xf32>
      tpu.vector_store %arg8[%swap3A_471, %swap3A_472, %swap3A_473], %swap3A_476 {strides = array<i32>} : memref<6x128x128xf32, #tpu.memory_space<vmem>>, vector<1x1x16xf32>,
      %get3A_477 = arith.constant 1 : i32
      %get3A_478 = arith.index_cast %get3A_477 : i32 to index
      %get3A_479 = arith.index_cast %scan3A_338 : i32 to index
      %get3A_480 = arith.constant 112 : index
      %get3A_481 = tpu.vector_load %arg8[%get3A_478, %get3A_479, %get3A_480] {strides = array<i32>} : memref<6x128x128xf32, #tpu.memory_space<vmem>>, vector<1x1x16xf32>,
      %get3A_482 = vector.shape_cast %get3A_481 : vector<1x1x16xf32> to vector<16xf32>
      %get3A_483 = arith.constant 5 : i32
      %get3A_484 = arith.index_cast %get3A_483 : i32 to index
      %get3A_485 = arith.index_cast %scan3A_338 : i32 to index
      %get3A_486 = arith.constant 112 : index
      %get3A_487 = tpu.vector_load %arg8[%get3A_484, %get3A_485, %get3A_486] {strides = array<i32>} : memref<6x128x128xf32, #tpu.memory_space<vmem>>, vector<1x1x16xf32>,
      %get3A_488 = vector.shape_cast %get3A_487 : vector<1x1x16xf32> to vector<16xf32>
      %mul3A_489 = arith.mulf %get3A_482, %get3A_488 : vector<16xf32>
      %swap3A_490 = arith.constant 1 : i32
      %swap3A_491 = arith.index_cast %swap3A_490 : i32 to index
      %swap3A_492 = arith.index_cast %scan3A_338 : i32 to index
      %swap3A_493 = arith.constant 112 : index
      %swap3A_494 = tpu.vector_load %arg8[%swap3A_491, %swap3A_492, %swap3A_493] {strides = array<i32>} : memref<6x128x128xf32, #tpu.memory_space<vmem>>, vector<1x1x16xf32>,
      %swap3A_495 = vector.shape_cast %swap3A_494 : vector<1x1x16xf32> to vector<16xf32>
      %swap3A_496 = vector.shape_cast %mul3A_489 : vector<16xf32> to vector<1x1x16xf32>
      tpu.vector_store %arg8[%swap3A_491, %swap3A_492, %swap3A_493], %swap3A_496 {strides = array<i32>} : memref<6x128x128xf32, #tpu.memory_space<vmem>>, vector<1x1x16xf32>,
    }
    %scan3A_166 = arith.constant 128 : i32
    %dma_start3A_167 = arith.constant 5 : i32
    %dma_start3A_168 = arith.constant 0 : i32
    %dma_start3A_169 = arith.constant 0 : i32
    %dma_start3A_170 = tpu.memref_slice %arg8[%dma_start3A_167, %dma_start3A_168, %dma_start3A_169] : memref<6x128x128xf32, #tpu.memory_space<vmem>> -> memref<1x128x128xf32, #tpu.memory_space<vmem>>
    %dma_start3A_171 = tpu.memref_squeeze %dma_start3A_170 : memref<1x128x128xf32, #tpu.memory_space<vmem>> -> memref<128x128xf32, #tpu.memory_space<vmem>>
    %dma_start3A_172 = arith.constant 896 : i32
    %dma_start3A_173 = tpu.memref_slice %arg7[%dma_start3A_172] : memref<1024xi32, #tpu.memory_space<vmem>> -> memref<128xi32, #tpu.memory_space<vmem>>
    %dma_start3A_174 = arith.constant 0 : i32
    %dma_start3A_175 = arith.constant 0 : i32
    %dma_start3A_176 = tpu.memref_slice %arg5[%dma_start3A_174, %dma_start3A_175] : memref<100000x128xf32, #tpu.memory_space<hbm>> -> memref<100000x128xf32, #tpu.memory_space<hbm>>
    tpu.enqueue_indirect_dma source(%dma_start3A_176 : memref<100000x128xf32, #tpu.memory_space<hbm>>) target(%dma_start3A_171 : memref<128x128xf32, #tpu.memory_space<vmem>>) offsets(%dma_start3A_173 : memref<128xi32, #tpu.memory_space<vmem>>) semaphore(%arg10 : memref<!tpu.dma_semaphore, #tpu.memory_space<semaphore_mem>>)
    %mul3A_177 = arith.constant 4 : i32
    %mul3A_178 = arith.muli %add3A, %mul3A_177 : i32
    %add3A_179 = arith.constant 1 : i32
    %add3A_180 = arith.addi %mul3A_178, %add3A_179 : i32
    %mul3A_181 = arith.constant 128 : i32
    %mul3A_182 = arith.muli %add3A_180, %mul3A_181 : i32
    %dma_start3A_183 = arith.constant 1 : i32
    %dma_start3A_184 = arith.constant 0 : i32
    %dma_start3A_185 = arith.constant 0 : i32
    %dma_start3A_186 = tpu.memref_slice %arg8[%dma_start3A_183, %dma_start3A_184, %dma_start3A_185] : memref<6x128x128xf32, #tpu.memory_space<vmem>> -> memref<1x128x128xf32, #tpu.memory_space<vmem>>
    %dma_start3A_187 = tpu.memref_squeeze %dma_start3A_186 : memref<1x128x128xf32, #tpu.memory_space<vmem>> -> memref<128x128xf32, #tpu.memory_space<vmem>>
    %dma_start3A_188 = arith.constant 0 : i32
    %dma_start3A_189 = tpu.memref_slice %arg6[%mul3A_182, %dma_start3A_188] : memref<16384x128xf32, #tpu.memory_space<hbm>> -> memref<128x128xf32, #tpu.memory_space<hbm>>
    %dma_start3A_190 = arith.constant 0 : i32
    %dma_start3A_191 = tpu.memref_slice %arg6[%mul3A_182, %dma_start3A_190] : memref<16384x128xf32, #tpu.memory_space<hbm>> -> memref<128x128xf32, #tpu.memory_space<hbm>>
    %dma_start3A_192 = arith.constant 0 : i32
    %dma_start3A_193 = arith.constant 0 : i32
    %dma_start3A_194 = tpu.memref_slice %arg8[%dma_start3A_183, %dma_start3A_192, %dma_start3A_193] : memref<6x128x128xf32, #tpu.memory_space<vmem>> -> memref<1x128x128xf32, #tpu.memory_space<vmem>>
    %dma_start3A_195 = tpu.memref_squeeze %dma_start3A_194 : memref<1x128x128xf32, #tpu.memory_space<vmem>> -> memref<128x128xf32, #tpu.memory_space<vmem>>
    tpu.enqueue_dma source(%dma_start3A_195 : memref<128x128xf32, #tpu.memory_space<vmem>>) target(%dma_start3A_191 : memref<128x128xf32, #tpu.memory_space<hbm>>) target_semaphore(%arg9 : memref<!tpu.dma_semaphore, #tpu.memory_space<semaphore_mem>>)
    %dma_wait3A_196 = arith.constant 2 : i32
    %dma_wait3A_197 = arith.constant 0 : i32
    %dma_wait3A_198 = arith.constant 0 : i32
    %dma_wait3A_199 = tpu.memref_slice %arg8[%dma_wait3A_196, %dma_wait3A_197, %dma_wait3A_198] : memref<6x128x128xf32, #tpu.memory_space<vmem>> -> memref<1x128x128xf32, #tpu.memory_space<vmem>>
    %dma_wait3A_200 = tpu.memref_squeeze %dma_wait3A_199 : memref<1x128x128xf32, #tpu.memory_space<vmem>> -> memref<128x128xf32, #tpu.memory_space<vmem>>
    %dma_wait3A_201 = arith.constant 256 : i32
    %dma_wait3A_202 = tpu.memref_slice %arg7[%dma_wait3A_201] : memref<1024xi32, #tpu.memory_space<vmem>> -> memref<128xi32, #tpu.memory_space<vmem>>
    %dma_wait3A_203 = arith.constant 0 : i32
    %dma_wait3A_204 = arith.constant 0 : i32
    %dma_wait3A_205 = tpu.memref_slice %arg4[%dma_wait3A_203, %dma_wait3A_204] : memref<100000x128xf32, #tpu.memory_space<hbm>> -> memref<100000x128xf32, #tpu.memory_space<hbm>>
    tpu.wait_indirect_dma semaphore(%arg9 : memref<!tpu.dma_semaphore, #tpu.memory_space<semaphore_mem>>) src(%dma_wait3A_205 : memref<100000x128xf32, #tpu.memory_space<hbm>>) dst(%dma_wait3A_200 : memref<128x128xf32, #tpu.memory_space<vmem>>)
    %dma_wait3A_206 = arith.constant 4 : i32
    %dma_wait3A_207 = arith.constant 0 : i32
    %dma_wait3A_208 = arith.constant 0 : i32
    %dma_wait3A_209 = tpu.memref_slice %arg8[%dma_wait3A_206, %dma_wait3A_207, %dma_wait3A_208] : memref<6x128x128xf32, #tpu.memory_space<vmem>> -> memref<1x128x128xf32, #tpu.memory_space<vmem>>
    %dma_wait3A_210 = tpu.memref_squeeze %dma_wait3A_209 : memref<1x128x128xf32, #tpu.memory_space<vmem>> -> memref<128x128xf32, #tpu.memory_space<vmem>>
    %dma_wait3A_211 = arith.constant 768 : i32
    %dma_wait3A_212 = tpu.memref_slice %arg7[%dma_wait3A_211] : memref<1024xi32, #tpu.memory_space<vmem>> -> memref<128xi32, #tpu.memory_space<vmem>>
    %dma_wait3A_213 = arith.constant 0 : i32
    %dma_wait3A_214 = arith.constant 0 : i32
    %dma_wait3A_215 = tpu.memref_slice %arg5[%dma_wait3A_213, %dma_wait3A_214] : memref<100000x128xf32, #tpu.memory_space<hbm>> -> memref<100000x128xf32, #tpu.memory_space<hbm>>
    tpu.wait_indirect_dma semaphore(%arg10 : memref<!tpu.dma_semaphore, #tpu.memory_space<semaphore_mem>>) src(%dma_wait3A_215 : memref<100000x128xf32, #tpu.memory_space<hbm>>) dst(%dma_wait3A_210 : memref<128x128xf32, #tpu.memory_space<vmem>>)
    %scan3A_216 = arith.constant 0 : i32
    %scan3A_217 = arith.constant 0 : i32
    %scan3A_218 = arith.constant 128 : i32
    %scan3A_219 = arith.addi %scan3A_217, %scan3A_218 : i32
    %scan3A_220 = arith.constant 1 : i32
    scf.for %scan3A_338 = %scan3A_217 to %scan3A_219 step %scan3A_220  : i32 {
      %get3A = arith.constant 2 : i32
      %get3A_339 = arith.index_cast %get3A : i32 to index
      %get3A_340 = arith.index_cast %scan3A_338 : i32 to index
      %get3A_341 = arith.constant 0 : index
      %get3A_342 = tpu.vector_load %arg8[%get3A_339, %get3A_340, %get3A_341] {strides = array<i32>} : memref<6x128x128xf32, #tpu.memory_space<vmem>>, vector<1x1x16xf32>,
      %get3A_343 = vector.shape_cast %get3A_342 : vector<1x1x16xf32> to vector<16xf32>
      %get3A_344 = arith.constant 4 : i32
      %get3A_345 = arith.index_cast %get3A_344 : i32 to index
      %get3A_346 = arith.index_cast %scan3A_338 : i32 to index
      %get3A_347 = arith.constant 0 : index
      %get3A_348 = tpu.vector_load %arg8[%get3A_345, %get3A_346, %get3A_347] {strides = array<i32>} : memref<6x128x128xf32, #tpu.memory_space<vmem>>, vector<1x1x16xf32>,
      %get3A_349 = vector.shape_cast %get3A_348 : vector<1x1x16xf32> to vector<16xf32>
      %mul3A_350 = arith.mulf %get3A_343, %get3A_349 : vector<16xf32>
      %swap3A = arith.constant 2 : i32
      %swap3A_351 = arith.index_cast %swap3A : i32 to index
      %swap3A_352 = arith.index_cast %scan3A_338 : i32 to index
      %swap3A_353 = arith.constant 0 : index
      %swap3A_354 = tpu.vector_load %arg8[%swap3A_351, %swap3A_352, %swap3A_353] {strides = array<i32>} : memref<6x128x128xf32, #tpu.memory_space<vmem>>, vector<1x1x16xf32>,
      %swap3A_355 = vector.shape_cast %swap3A_354 : vector<1x1x16xf32> to vector<16xf32>
      %swap3A_356 = vector.shape_cast %mul3A_350 : vector<16xf32> to vector<1x1x16xf32>
      tpu.vector_store %arg8[%swap3A_351, %swap3A_352, %swap3A_353], %swap3A_356 {strides = array<i32>} : memref<6x128x128xf32, #tpu.memory_space<vmem>>, vector<1x1x16xf32>,
      %get3A_357 = arith.constant 2 : i32
      %get3A_358 = arith.index_cast %get3A_357 : i32 to index
      %get3A_359 = arith.index_cast %scan3A_338 : i32 to index
      %get3A_360 = arith.constant 16 : index
      %get3A_361 = tpu.vector_load %arg8[%get3A_358, %get3A_359, %get3A_360] {strides = array<i32>} : memref<6x128x128xf32, #tpu.memory_space<vmem>>, vector<1x1x16xf32>,
      %get3A_362 = vector.shape_cast %get3A_361 : vector<1x1x16xf32> to vector<16xf32>
      %get3A_363 = arith.constant 4 : i32
      %get3A_364 = arith.index_cast %get3A_363 : i32 to index
      %get3A_365 = arith.index_cast %scan3A_338 : i32 to index
      %get3A_366 = arith.constant 16 : index
      %get3A_367 = tpu.vector_load %arg8[%get3A_364, %get3A_365, %get3A_366] {strides = array<i32>} : memref<6x128x128xf32, #tpu.memory_space<vmem>>, vector<1x1x16xf32>,
      %get3A_368 = vector.shape_cast %get3A_367 : vector<1x1x16xf32> to vector<16xf32>
      %mul3A_369 = arith.mulf %get3A_362, %get3A_368 : vector<16xf32>
      %swap3A_370 = arith.constant 2 : i32
      %swap3A_371 = arith.index_cast %swap3A_370 : i32 to index
      %swap3A_372 = arith.index_cast %scan3A_338 : i32 to index
      %swap3A_373 = arith.constant 16 : index
      %swap3A_374 = tpu.vector_load %arg8[%swap3A_371, %swap3A_372, %swap3A_373] {strides = array<i32>} : memref<6x128x128xf32, #tpu.memory_space<vmem>>, vector<1x1x16xf32>,
      %swap3A_375 = vector.shape_cast %swap3A_374 : vector<1x1x16xf32> to vector<16xf32>
      %swap3A_376 = vector.shape_cast %mul3A_369 : vector<16xf32> to vector<1x1x16xf32>
      tpu.vector_store %arg8[%swap3A_371, %swap3A_372, %swap3A_373], %swap3A_376 {strides = array<i32>} : memref<6x128x128xf32, #tpu.memory_space<vmem>>, vector<1x1x16xf32>,
      %get3A_377 = arith.constant 2 : i32
      %get3A_378 = arith.index_cast %get3A_377 : i32 to index
      %get3A_379 = arith.index_cast %scan3A_338 : i32 to index
      %get3A_380 = arith.constant 32 : index
      %get3A_381 = tpu.vector_load %arg8[%get3A_378, %get3A_379, %get3A_380] {strides = array<i32>} : memref<6x128x128xf32, #tpu.memory_space<vmem>>, vector<1x1x16xf32>,
      %get3A_382 = vector.shape_cast %get3A_381 : vector<1x1x16xf32> to vector<16xf32>
      %get3A_383 = arith.constant 4 : i32
      %get3A_384 = arith.index_cast %get3A_383 : i32 to index
      %get3A_385 = arith.index_cast %scan3A_338 : i32 to index
      %get3A_386 = arith.constant 32 : index
      %get3A_387 = tpu.vector_load %arg8[%get3A_384, %get3A_385, %get3A_386] {strides = array<i32>} : memref<6x128x128xf32, #tpu.memory_space<vmem>>, vector<1x1x16xf32>,
      %get3A_388 = vector.shape_cast %get3A_387 : vector<1x1x16xf32> to vector<16xf32>
      %mul3A_389 = arith.mulf %get3A_382, %get3A_388 : vector<16xf32>
      %swap3A_390 = arith.constant 2 : i32
      %swap3A_391 = arith.index_cast %swap3A_390 : i32 to index
      %swap3A_392 = arith.index_cast %scan3A_338 : i32 to index
      %swap3A_393 = arith.constant 32 : index
      %swap3A_394 = tpu.vector_load %arg8[%swap3A_391, %swap3A_392, %swap3A_393] {strides = array<i32>} : memref<6x128x128xf32, #tpu.memory_space<vmem>>, vector<1x1x16xf32>,
      %swap3A_395 = vector.shape_cast %swap3A_394 : vector<1x1x16xf32> to vector<16xf32>
      %swap3A_396 = vector.shape_cast %mul3A_389 : vector<16xf32> to vector<1x1x16xf32>
      tpu.vector_store %arg8[%swap3A_391, %swap3A_392, %swap3A_393], %swap3A_396 {strides = array<i32>} : memref<6x128x128xf32, #tpu.memory_space<vmem>>, vector<1x1x16xf32>,
      %get3A_397 = arith.constant 2 : i32
      %get3A_398 = arith.index_cast %get3A_397 : i32 to index
      %get3A_399 = arith.index_cast %scan3A_338 : i32 to index
      %get3A_400 = arith.constant 48 : index
      %get3A_401 = tpu.vector_load %arg8[%get3A_398, %get3A_399, %get3A_400] {strides = array<i32>} : memref<6x128x128xf32, #tpu.memory_space<vmem>>, vector<1x1x16xf32>,
      %get3A_402 = vector.shape_cast %get3A_401 : vector<1x1x16xf32> to vector<16xf32>
      %get3A_403 = arith.constant 4 : i32
      %get3A_404 = arith.index_cast %get3A_403 : i32 to index
      %get3A_405 = arith.index_cast %scan3A_338 : i32 to index
      %get3A_406 = arith.constant 48 : index
      %get3A_407 = tpu.vector_load %arg8[%get3A_404, %get3A_405, %get3A_406] {strides = array<i32>} : memref<6x128x128xf32, #tpu.memory_space<vmem>>, vector<1x1x16xf32>,
      %get3A_408 = vector.shape_cast %get3A_407 : vector<1x1x16xf32> to vector<16xf32>
      %mul3A_409 = arith.mulf %get3A_402, %get3A_408 : vector<16xf32>
      %swap3A_410 = arith.constant 2 : i32
      %swap3A_411 = arith.index_cast %swap3A_410 : i32 to index
      %swap3A_412 = arith.index_cast %scan3A_338 : i32 to index
      %swap3A_413 = arith.constant 48 : index
      %swap3A_414 = tpu.vector_load %arg8[%swap3A_411, %swap3A_412, %swap3A_413] {strides = array<i32>} : memref<6x128x128xf32, #tpu.memory_space<vmem>>, vector<1x1x16xf32>,
      %swap3A_415 = vector.shape_cast %swap3A_414 : vector<1x1x16xf32> to vector<16xf32>
      %swap3A_416 = vector.shape_cast %mul3A_409 : vector<16xf32> to vector<1x1x16xf32>
      tpu.vector_store %arg8[%swap3A_411, %swap3A_412, %swap3A_413], %swap3A_416 {strides = array<i32>} : memref<6x128x128xf32, #tpu.memory_space<vmem>>, vector<1x1x16xf32>,
      %get3A_417 = arith.constant 2 : i32
      %get3A_418 = arith.index_cast %get3A_417 : i32 to index
      %get3A_419 = arith.index_cast %scan3A_338 : i32 to index
      %get3A_420 = arith.constant 64 : index
      %get3A_421 = tpu.vector_load %arg8[%get3A_418, %get3A_419, %get3A_420] {strides = array<i32>} : memref<6x128x128xf32, #tpu.memory_space<vmem>>, vector<1x1x16xf32>,
      %get3A_422 = vector.shape_cast %get3A_421 : vector<1x1x16xf32> to vector<16xf32>
      %get3A_423 = arith.constant 4 : i32
      %get3A_424 = arith.index_cast %get3A_423 : i32 to index
      %get3A_425 = arith.index_cast %scan3A_338 : i32 to index
      %get3A_426 = arith.constant 64 : index
      %get3A_427 = tpu.vector_load %arg8[%get3A_424, %get3A_425, %get3A_426] {strides = array<i32>} : memref<6x128x128xf32, #tpu.memory_space<vmem>>, vector<1x1x16xf32>,
      %get3A_428 = vector.shape_cast %get3A_427 : vector<1x1x16xf32> to vector<16xf32>
      %mul3A_429 = arith.mulf %get3A_422, %get3A_428 : vector<16xf32>
      %swap3A_430 = arith.constant 2 : i32
      %swap3A_431 = arith.index_cast %swap3A_430 : i32 to index
      %swap3A_432 = arith.index_cast %scan3A_338 : i32 to index
      %swap3A_433 = arith.constant 64 : index
      %swap3A_434 = tpu.vector_load %arg8[%swap3A_431, %swap3A_432, %swap3A_433] {strides = array<i32>} : memref<6x128x128xf32, #tpu.memory_space<vmem>>, vector<1x1x16xf32>,
      %swap3A_435 = vector.shape_cast %swap3A_434 : vector<1x1x16xf32> to vector<16xf32>
      %swap3A_436 = vector.shape_cast %mul3A_429 : vector<16xf32> to vector<1x1x16xf32>
      tpu.vector_store %arg8[%swap3A_431, %swap3A_432, %swap3A_433], %swap3A_436 {strides = array<i32>} : memref<6x128x128xf32, #tpu.memory_space<vmem>>, vector<1x1x16xf32>,
      %get3A_437 = arith.constant 2 : i32
      %get3A_438 = arith.index_cast %get3A_437 : i32 to index
      %get3A_439 = arith.index_cast %scan3A_338 : i32 to index
      %get3A_440 = arith.constant 80 : index
      %get3A_441 = tpu.vector_load %arg8[%get3A_438, %get3A_439, %get3A_440] {strides = array<i32>} : memref<6x128x128xf32, #tpu.memory_space<vmem>>, vector<1x1x16xf32>,
      %get3A_442 = vector.shape_cast %get3A_441 : vector<1x1x16xf32> to vector<16xf32>
      %get3A_443 = arith.constant 4 : i32
      %get3A_444 = arith.index_cast %get3A_443 : i32 to index
      %get3A_445 = arith.index_cast %scan3A_338 : i32 to index
      %get3A_446 = arith.constant 80 : index
      %get3A_447 = tpu.vector_load %arg8[%get3A_444, %get3A_445, %get3A_446] {strides = array<i32>} : memref<6x128x128xf32, #tpu.memory_space<vmem>>, vector<1x1x16xf32>,
      %get3A_448 = vector.shape_cast %get3A_447 : vector<1x1x16xf32> to vector<16xf32>
      %mul3A_449 = arith.mulf %get3A_442, %get3A_448 : vector<16xf32>
      %swap3A_450 = arith.constant 2 : i32
      %swap3A_451 = arith.index_cast %swap3A_450 : i32 to index
      %swap3A_452 = arith.index_cast %scan3A_338 : i32 to index
      %swap3A_453 = arith.constant 80 : index
      %swap3A_454 = tpu.vector_load %arg8[%swap3A_451, %swap3A_452, %swap3A_453] {strides = array<i32>} : memref<6x128x128xf32, #tpu.memory_space<vmem>>, vector<1x1x16xf32>,
      %swap3A_455 = vector.shape_cast %swap3A_454 : vector<1x1x16xf32> to vector<16xf32>
      %swap3A_456 = vector.shape_cast %mul3A_449 : vector<16xf32> to vector<1x1x16xf32>
      tpu.vector_store %arg8[%swap3A_451, %swap3A_452, %swap3A_453], %swap3A_456 {strides = array<i32>} : memref<6x128x128xf32, #tpu.memory_space<vmem>>, vector<1x1x16xf32>,
      %get3A_457 = arith.constant 2 : i32
      %get3A_458 = arith.index_cast %get3A_457 : i32 to index
      %get3A_459 = arith.index_cast %scan3A_338 : i32 to index
      %get3A_460 = arith.constant 96 : index
      %get3A_461 = tpu.vector_load %arg8[%get3A_458, %get3A_459, %get3A_460] {strides = array<i32>} : memref<6x128x128xf32, #tpu.memory_space<vmem>>, vector<1x1x16xf32>,
      %get3A_462 = vector.shape_cast %get3A_461 : vector<1x1x16xf32> to vector<16xf32>
      %get3A_463 = arith.constant 4 : i32
      %get3A_464 = arith.index_cast %get3A_463 : i32 to index
      %get3A_465 = arith.index_cast %scan3A_338 : i32 to index
      %get3A_466 = arith.constant 96 : index
      %get3A_467 = tpu.vector_load %arg8[%get3A_464, %get3A_465, %get3A_466] {strides = array<i32>} : memref<6x128x128xf32, #tpu.memory_space<vmem>>, vector<1x1x16xf32>,
      %get3A_468 = vector.shape_cast %get3A_467 : vector<1x1x16xf32> to vector<16xf32>
      %mul3A_469 = arith.mulf %get3A_462, %get3A_468 : vector<16xf32>
      %swap3A_470 = arith.constant 2 : i32
      %swap3A_471 = arith.index_cast %swap3A_470 : i32 to index
      %swap3A_472 = arith.index_cast %scan3A_338 : i32 to index
      %swap3A_473 = arith.constant 96 : index
      %swap3A_474 = tpu.vector_load %arg8[%swap3A_471, %swap3A_472, %swap3A_473] {strides = array<i32>} : memref<6x128x128xf32, #tpu.memory_space<vmem>>, vector<1x1x16xf32>,
      %swap3A_475 = vector.shape_cast %swap3A_474 : vector<1x1x16xf32> to vector<16xf32>
      %swap3A_476 = vector.shape_cast %mul3A_469 : vector<16xf32> to vector<1x1x16xf32>
      tpu.vector_store %arg8[%swap3A_471, %swap3A_472, %swap3A_473], %swap3A_476 {strides = array<i32>} : memref<6x128x128xf32, #tpu.memory_space<vmem>>, vector<1x1x16xf32>,
      %get3A_477 = arith.constant 2 : i32
      %get3A_478 = arith.index_cast %get3A_477 : i32 to index
      %get3A_479 = arith.index_cast %scan3A_338 : i32 to index
      %get3A_480 = arith.constant 112 : index
      %get3A_481 = tpu.vector_load %arg8[%get3A_478, %get3A_479, %get3A_480] {strides = array<i32>} : memref<6x128x128xf32, #tpu.memory_space<vmem>>, vector<1x1x16xf32>,
      %get3A_482 = vector.shape_cast %get3A_481 : vector<1x1x16xf32> to vector<16xf32>
      %get3A_483 = arith.constant 4 : i32
      %get3A_484 = arith.index_cast %get3A_483 : i32 to index
      %get3A_485 = arith.index_cast %scan3A_338 : i32 to index
      %get3A_486 = arith.constant 112 : index
      %get3A_487 = tpu.vector_load %arg8[%get3A_484, %get3A_485, %get3A_486] {strides = array<i32>} : memref<6x128x128xf32, #tpu.memory_space<vmem>>, vector<1x1x16xf32>,
      %get3A_488 = vector.shape_cast %get3A_487 : vector<1x1x16xf32> to vector<16xf32>
      %mul3A_489 = arith.mulf %get3A_482, %get3A_488 : vector<16xf32>
      %swap3A_490 = arith.constant 2 : i32
      %swap3A_491 = arith.index_cast %swap3A_490 : i32 to index
      %swap3A_492 = arith.index_cast %scan3A_338 : i32 to index
      %swap3A_493 = arith.constant 112 : index
      %swap3A_494 = tpu.vector_load %arg8[%swap3A_491, %swap3A_492, %swap3A_493] {strides = array<i32>} : memref<6x128x128xf32, #tpu.memory_space<vmem>>, vector<1x1x16xf32>,
      %swap3A_495 = vector.shape_cast %swap3A_494 : vector<1x1x16xf32> to vector<16xf32>
      %swap3A_496 = vector.shape_cast %mul3A_489 : vector<16xf32> to vector<1x1x16xf32>
      tpu.vector_store %arg8[%swap3A_491, %swap3A_492, %swap3A_493], %swap3A_496 {strides = array<i32>} : memref<6x128x128xf32, #tpu.memory_space<vmem>>, vector<1x1x16xf32>,
    }
    %scan3A_221 = arith.constant 128 : i32
    %mul3A_222 = arith.constant 4 : i32
    %mul3A_223 = arith.muli %add3A, %mul3A_222 : i32
    %add3A_224 = arith.constant 2 : i32
    %add3A_225 = arith.addi %mul3A_223, %add3A_224 : i32
    %mul3A_226 = arith.constant 128 : i32
    %mul3A_227 = arith.muli %add3A_225, %mul3A_226 : i32
    %dma_start3A_228 = arith.constant 2 : i32
    %dma_start3A_229 = arith.constant 0 : i32
    %dma_start3A_230 = arith.constant 0 : i32
    %dma_start3A_231 = tpu.memref_slice %arg8[%dma_start3A_228, %dma_start3A_229, %dma_start3A_230] : memref<6x128x128xf32, #tpu.memory_space<vmem>> -> memref<1x128x128xf32, #tpu.memory_space<vmem>>
    %dma_start3A_232 = tpu.memref_squeeze %dma_start3A_231 : memref<1x128x128xf32, #tpu.memory_space<vmem>> -> memref<128x128xf32, #tpu.memory_space<vmem>>
    %dma_start3A_233 = arith.constant 0 : i32
    %dma_start3A_234 = tpu.memref_slice %arg6[%mul3A_227, %dma_start3A_233] : memref<16384x128xf32, #tpu.memory_space<hbm>> -> memref<128x128xf32, #tpu.memory_space<hbm>>
    %dma_start3A_235 = arith.constant 0 : i32
    %dma_start3A_236 = tpu.memref_slice %arg6[%mul3A_227, %dma_start3A_235] : memref<16384x128xf32, #tpu.memory_space<hbm>> -> memref<128x128xf32, #tpu.memory_space<hbm>>
    %dma_start3A_237 = arith.constant 0 : i32
    %dma_start3A_238 = arith.constant 0 : i32
    %dma_start3A_239 = tpu.memref_slice %arg8[%dma_start3A_228, %dma_start3A_237, %dma_start3A_238] : memref<6x128x128xf32, #tpu.memory_space<vmem>> -> memref<1x128x128xf32, #tpu.memory_space<vmem>>
    %dma_start3A_240 = tpu.memref_squeeze %dma_start3A_239 : memref<1x128x128xf32, #tpu.memory_space<vmem>> -> memref<128x128xf32, #tpu.memory_space<vmem>>
    tpu.enqueue_dma source(%dma_start3A_240 : memref<128x128xf32, #tpu.memory_space<vmem>>) target(%dma_start3A_236 : memref<128x128xf32, #tpu.memory_space<hbm>>) target_semaphore(%arg9 : memref<!tpu.dma_semaphore, #tpu.memory_space<semaphore_mem>>)
    %dma_wait3A_241 = arith.constant 3 : i32
    %dma_wait3A_242 = arith.constant 0 : i32
    %dma_wait3A_243 = arith.constant 0 : i32
    %dma_wait3A_244 = tpu.memref_slice %arg8[%dma_wait3A_241, %dma_wait3A_242, %dma_wait3A_243] : memref<6x128x128xf32, #tpu.memory_space<vmem>> -> memref<1x128x128xf32, #tpu.memory_space<vmem>>
    %dma_wait3A_245 = tpu.memref_squeeze %dma_wait3A_244 : memref<1x128x128xf32, #tpu.memory_space<vmem>> -> memref<128x128xf32, #tpu.memory_space<vmem>>
    %dma_wait3A_246 = arith.constant 384 : i32
    %dma_wait3A_247 = tpu.memref_slice %arg7[%dma_wait3A_246] : memref<1024xi32, #tpu.memory_space<vmem>> -> memref<128xi32, #tpu.memory_space<vmem>>
    %dma_wait3A_248 = arith.constant 0 : i32
    %dma_wait3A_249 = arith.constant 0 : i32
    %dma_wait3A_250 = tpu.memref_slice %arg4[%dma_wait3A_248, %dma_wait3A_249] : memref<100000x128xf32, #tpu.memory_space<hbm>> -> memref<100000x128xf32, #tpu.memory_space<hbm>>
    tpu.wait_indirect_dma semaphore(%arg9 : memref<!tpu.dma_semaphore, #tpu.memory_space<semaphore_mem>>) src(%dma_wait3A_250 : memref<100000x128xf32, #tpu.memory_space<hbm>>) dst(%dma_wait3A_245 : memref<128x128xf32, #tpu.memory_space<vmem>>)
    %dma_wait3A_251 = arith.constant 5 : i32
    %dma_wait3A_252 = arith.constant 0 : i32
    %dma_wait3A_253 = arith.constant 0 : i32
    %dma_wait3A_254 = tpu.memref_slice %arg8[%dma_wait3A_251, %dma_wait3A_252, %dma_wait3A_253] : memref<6x128x128xf32, #tpu.memory_space<vmem>> -> memref<1x128x128xf32, #tpu.memory_space<vmem>>
    %dma_wait3A_255 = tpu.memref_squeeze %dma_wait3A_254 : memref<1x128x128xf32, #tpu.memory_space<vmem>> -> memref<128x128xf32, #tpu.memory_space<vmem>>
    %dma_wait3A_256 = arith.constant 896 : i32
    %dma_wait3A_257 = tpu.memref_slice %arg7[%dma_wait3A_256] : memref<1024xi32, #tpu.memory_space<vmem>> -> memref<128xi32, #tpu.memory_space<vmem>>
    %dma_wait3A_258 = arith.constant 0 : i32
    %dma_wait3A_259 = arith.constant 0 : i32
    %dma_wait3A_260 = tpu.memref_slice %arg5[%dma_wait3A_258, %dma_wait3A_259] : memref<100000x128xf32, #tpu.memory_space<hbm>> -> memref<100000x128xf32, #tpu.memory_space<hbm>>
    tpu.wait_indirect_dma semaphore(%arg10 : memref<!tpu.dma_semaphore, #tpu.memory_space<semaphore_mem>>) src(%dma_wait3A_260 : memref<100000x128xf32, #tpu.memory_space<hbm>>) dst(%dma_wait3A_255 : memref<128x128xf32, #tpu.memory_space<vmem>>)
    %scan3A_261 = arith.constant 0 : i32
    %scan3A_262 = arith.constant 0 : i32
    %scan3A_263 = arith.constant 128 : i32
    %scan3A_264 = arith.addi %scan3A_262, %scan3A_263 : i32
    %scan3A_265 = arith.constant 1 : i32
    scf.for %scan3A_338 = %scan3A_262 to %scan3A_264 step %scan3A_265  : i32 {
      %get3A = arith.constant 3 : i32
      %get3A_339 = arith.index_cast %get3A : i32 to index
      %get3A_340 = arith.index_cast %scan3A_338 : i32 to index
      %get3A_341 = arith.constant 0 : index
      %get3A_342 = tpu.vector_load %arg8[%get3A_339, %get3A_340, %get3A_341] {strides = array<i32>} : memref<6x128x128xf32, #tpu.memory_space<vmem>>, vector<1x1x16xf32>,
      %get3A_343 = vector.shape_cast %get3A_342 : vector<1x1x16xf32> to vector<16xf32>
      %get3A_344 = arith.constant 5 : i32
      %get3A_345 = arith.index_cast %get3A_344 : i32 to index
      %get3A_346 = arith.index_cast %scan3A_338 : i32 to index
      %get3A_347 = arith.constant 0 : index
      %get3A_348 = tpu.vector_load %arg8[%get3A_345, %get3A_346, %get3A_347] {strides = array<i32>} : memref<6x128x128xf32, #tpu.memory_space<vmem>>, vector<1x1x16xf32>,
      %get3A_349 = vector.shape_cast %get3A_348 : vector<1x1x16xf32> to vector<16xf32>
      %mul3A_350 = arith.mulf %get3A_343, %get3A_349 : vector<16xf32>
      %swap3A = arith.constant 3 : i32
      %swap3A_351 = arith.index_cast %swap3A : i32 to index
      %swap3A_352 = arith.index_cast %scan3A_338 : i32 to index
      %swap3A_353 = arith.constant 0 : index
      %swap3A_354 = tpu.vector_load %arg8[%swap3A_351, %swap3A_352, %swap3A_353] {strides = array<i32>} : memref<6x128x128xf32, #tpu.memory_space<vmem>>, vector<1x1x16xf32>,
      %swap3A_355 = vector.shape_cast %swap3A_354 : vector<1x1x16xf32> to vector<16xf32>
      %swap3A_356 = vector.shape_cast %mul3A_350 : vector<16xf32> to vector<1x1x16xf32>
      tpu.vector_store %arg8[%swap3A_351, %swap3A_352, %swap3A_353], %swap3A_356 {strides = array<i32>} : memref<6x128x128xf32, #tpu.memory_space<vmem>>, vector<1x1x16xf32>,
      %get3A_357 = arith.constant 3 : i32
      %get3A_358 = arith.index_cast %get3A_357 : i32 to index
      %get3A_359 = arith.index_cast %scan3A_338 : i32 to index
      %get3A_360 = arith.constant 16 : index
      %get3A_361 = tpu.vector_load %arg8[%get3A_358, %get3A_359, %get3A_360] {strides = array<i32>} : memref<6x128x128xf32, #tpu.memory_space<vmem>>, vector<1x1x16xf32>,
      %get3A_362 = vector.shape_cast %get3A_361 : vector<1x1x16xf32> to vector<16xf32>
      %get3A_363 = arith.constant 5 : i32
      %get3A_364 = arith.index_cast %get3A_363 : i32 to index
      %get3A_365 = arith.index_cast %scan3A_338 : i32 to index
      %get3A_366 = arith.constant 16 : index
      %get3A_367 = tpu.vector_load %arg8[%get3A_364, %get3A_365, %get3A_366] {strides = array<i32>} : memref<6x128x128xf32, #tpu.memory_space<vmem>>, vector<1x1x16xf32>,
      %get3A_368 = vector.shape_cast %get3A_367 : vector<1x1x16xf32> to vector<16xf32>
      %mul3A_369 = arith.mulf %get3A_362, %get3A_368 : vector<16xf32>
      %swap3A_370 = arith.constant 3 : i32
      %swap3A_371 = arith.index_cast %swap3A_370 : i32 to index
      %swap3A_372 = arith.index_cast %scan3A_338 : i32 to index
      %swap3A_373 = arith.constant 16 : index
      %swap3A_374 = tpu.vector_load %arg8[%swap3A_371, %swap3A_372, %swap3A_373] {strides = array<i32>} : memref<6x128x128xf32, #tpu.memory_space<vmem>>, vector<1x1x16xf32>,
      %swap3A_375 = vector.shape_cast %swap3A_374 : vector<1x1x16xf32> to vector<16xf32>
      %swap3A_376 = vector.shape_cast %mul3A_369 : vector<16xf32> to vector<1x1x16xf32>
      tpu.vector_store %arg8[%swap3A_371, %swap3A_372, %swap3A_373], %swap3A_376 {strides = array<i32>} : memref<6x128x128xf32, #tpu.memory_space<vmem>>, vector<1x1x16xf32>,
      %get3A_377 = arith.constant 3 : i32
      %get3A_378 = arith.index_cast %get3A_377 : i32 to index
      %get3A_379 = arith.index_cast %scan3A_338 : i32 to index
      %get3A_380 = arith.constant 32 : index
      %get3A_381 = tpu.vector_load %arg8[%get3A_378, %get3A_379, %get3A_380] {strides = array<i32>} : memref<6x128x128xf32, #tpu.memory_space<vmem>>, vector<1x1x16xf32>,
      %get3A_382 = vector.shape_cast %get3A_381 : vector<1x1x16xf32> to vector<16xf32>
      %get3A_383 = arith.constant 5 : i32
      %get3A_384 = arith.index_cast %get3A_383 : i32 to index
      %get3A_385 = arith.index_cast %scan3A_338 : i32 to index
      %get3A_386 = arith.constant 32 : index
      %get3A_387 = tpu.vector_load %arg8[%get3A_384, %get3A_385, %get3A_386] {strides = array<i32>} : memref<6x128x128xf32, #tpu.memory_space<vmem>>, vector<1x1x16xf32>,
      %get3A_388 = vector.shape_cast %get3A_387 : vector<1x1x16xf32> to vector<16xf32>
      %mul3A_389 = arith.mulf %get3A_382, %get3A_388 : vector<16xf32>
      %swap3A_390 = arith.constant 3 : i32
      %swap3A_391 = arith.index_cast %swap3A_390 : i32 to index
      %swap3A_392 = arith.index_cast %scan3A_338 : i32 to index
      %swap3A_393 = arith.constant 32 : index
      %swap3A_394 = tpu.vector_load %arg8[%swap3A_391, %swap3A_392, %swap3A_393] {strides = array<i32>} : memref<6x128x128xf32, #tpu.memory_space<vmem>>, vector<1x1x16xf32>,
      %swap3A_395 = vector.shape_cast %swap3A_394 : vector<1x1x16xf32> to vector<16xf32>
      %swap3A_396 = vector.shape_cast %mul3A_389 : vector<16xf32> to vector<1x1x16xf32>
      tpu.vector_store %arg8[%swap3A_391, %swap3A_392, %swap3A_393], %swap3A_396 {strides = array<i32>} : memref<6x128x128xf32, #tpu.memory_space<vmem>>, vector<1x1x16xf32>,
      %get3A_397 = arith.constant 3 : i32
      %get3A_398 = arith.index_cast %get3A_397 : i32 to index
      %get3A_399 = arith.index_cast %scan3A_338 : i32 to index
      %get3A_400 = arith.constant 48 : index
      %get3A_401 = tpu.vector_load %arg8[%get3A_398, %get3A_399, %get3A_400] {strides = array<i32>} : memref<6x128x128xf32, #tpu.memory_space<vmem>>, vector<1x1x16xf32>,
      %get3A_402 = vector.shape_cast %get3A_401 : vector<1x1x16xf32> to vector<16xf32>
      %get3A_403 = arith.constant 5 : i32
      %get3A_404 = arith.index_cast %get3A_403 : i32 to index
      %get3A_405 = arith.index_cast %scan3A_338 : i32 to index
      %get3A_406 = arith.constant 48 : index
      %get3A_407 = tpu.vector_load %arg8[%get3A_404, %get3A_405, %get3A_406] {strides = array<i32>} : memref<6x128x128xf32, #tpu.memory_space<vmem>>, vector<1x1x16xf32>,
      %get3A_408 = vector.shape_cast %get3A_407 : vector<1x1x16xf32> to vector<16xf32>
      %mul3A_409 = arith.mulf %get3A_402, %get3A_408 : vector<16xf32>
      %swap3A_410 = arith.constant 3 : i32
      %swap3A_411 = arith.index_cast %swap3A_410 : i32 to index
      %swap3A_412 = arith.index_cast %scan3A_338 : i32 to index
      %swap3A_413 = arith.constant 48 : index
      %swap3A_414 = tpu.vector_load %arg8[%swap3A_411, %swap3A_412, %swap3A_413] {strides = array<i32>} : memref<6x128x128xf32, #tpu.memory_space<vmem>>, vector<1x1x16xf32>,
      %swap3A_415 = vector.shape_cast %swap3A_414 : vector<1x1x16xf32> to vector<16xf32>
      %swap3A_416 = vector.shape_cast %mul3A_409 : vector<16xf32> to vector<1x1x16xf32>
      tpu.vector_store %arg8[%swap3A_411, %swap3A_412, %swap3A_413], %swap3A_416 {strides = array<i32>} : memref<6x128x128xf32, #tpu.memory_space<vmem>>, vector<1x1x16xf32>,
      %get3A_417 = arith.constant 3 : i32
      %get3A_418 = arith.index_cast %get3A_417 : i32 to index
      %get3A_419 = arith.index_cast %scan3A_338 : i32 to index
      %get3A_420 = arith.constant 64 : index
      %get3A_421 = tpu.vector_load %arg8[%get3A_418, %get3A_419, %get3A_420] {strides = array<i32>} : memref<6x128x128xf32, #tpu.memory_space<vmem>>, vector<1x1x16xf32>,
      %get3A_422 = vector.shape_cast %get3A_421 : vector<1x1x16xf32> to vector<16xf32>
      %get3A_423 = arith.constant 5 : i32
      %get3A_424 = arith.index_cast %get3A_423 : i32 to index
      %get3A_425 = arith.index_cast %scan3A_338 : i32 to index
      %get3A_426 = arith.constant 64 : index
      %get3A_427 = tpu.vector_load %arg8[%get3A_424, %get3A_425, %get3A_426] {strides = array<i32>} : memref<6x128x128xf32, #tpu.memory_space<vmem>>, vector<1x1x16xf32>,
      %get3A_428 = vector.shape_cast %get3A_427 : vector<1x1x16xf32> to vector<16xf32>
      %mul3A_429 = arith.mulf %get3A_422, %get3A_428 : vector<16xf32>
      %swap3A_430 = arith.constant 3 : i32
      %swap3A_431 = arith.index_cast %swap3A_430 : i32 to index
      %swap3A_432 = arith.index_cast %scan3A_338 : i32 to index
      %swap3A_433 = arith.constant 64 : index
      %swap3A_434 = tpu.vector_load %arg8[%swap3A_431, %swap3A_432, %swap3A_433] {strides = array<i32>} : memref<6x128x128xf32, #tpu.memory_space<vmem>>, vector<1x1x16xf32>,
      %swap3A_435 = vector.shape_cast %swap3A_434 : vector<1x1x16xf32> to vector<16xf32>
      %swap3A_436 = vector.shape_cast %mul3A_429 : vector<16xf32> to vector<1x1x16xf32>
      tpu.vector_store %arg8[%swap3A_431, %swap3A_432, %swap3A_433], %swap3A_436 {strides = array<i32>} : memref<6x128x128xf32, #tpu.memory_space<vmem>>, vector<1x1x16xf32>,
      %get3A_437 = arith.constant 3 : i32
      %get3A_438 = arith.index_cast %get3A_437 : i32 to index
      %get3A_439 = arith.index_cast %scan3A_338 : i32 to index
      %get3A_440 = arith.constant 80 : index
      %get3A_441 = tpu.vector_load %arg8[%get3A_438, %get3A_439, %get3A_440] {strides = array<i32>} : memref<6x128x128xf32, #tpu.memory_space<vmem>>, vector<1x1x16xf32>,
      %get3A_442 = vector.shape_cast %get3A_441 : vector<1x1x16xf32> to vector<16xf32>
      %get3A_443 = arith.constant 5 : i32
      %get3A_444 = arith.index_cast %get3A_443 : i32 to index
      %get3A_445 = arith.index_cast %scan3A_338 : i32 to index
      %get3A_446 = arith.constant 80 : index
      %get3A_447 = tpu.vector_load %arg8[%get3A_444, %get3A_445, %get3A_446] {strides = array<i32>} : memref<6x128x128xf32, #tpu.memory_space<vmem>>, vector<1x1x16xf32>,
      %get3A_448 = vector.shape_cast %get3A_447 : vector<1x1x16xf32> to vector<16xf32>
      %mul3A_449 = arith.mulf %get3A_442, %get3A_448 : vector<16xf32>
      %swap3A_450 = arith.constant 3 : i32
      %swap3A_451 = arith.index_cast %swap3A_450 : i32 to index
      %swap3A_452 = arith.index_cast %scan3A_338 : i32 to index
      %swap3A_453 = arith.constant 80 : index
      %swap3A_454 = tpu.vector_load %arg8[%swap3A_451, %swap3A_452, %swap3A_453] {strides = array<i32>} : memref<6x128x128xf32, #tpu.memory_space<vmem>>, vector<1x1x16xf32>,
      %swap3A_455 = vector.shape_cast %swap3A_454 : vector<1x1x16xf32> to vector<16xf32>
      %swap3A_456 = vector.shape_cast %mul3A_449 : vector<16xf32> to vector<1x1x16xf32>
      tpu.vector_store %arg8[%swap3A_451, %swap3A_452, %swap3A_453], %swap3A_456 {strides = array<i32>} : memref<6x128x128xf32, #tpu.memory_space<vmem>>, vector<1x1x16xf32>,
      %get3A_457 = arith.constant 3 : i32
      %get3A_458 = arith.index_cast %get3A_457 : i32 to index
      %get3A_459 = arith.index_cast %scan3A_338 : i32 to index
      %get3A_460 = arith.constant 96 : index
      %get3A_461 = tpu.vector_load %arg8[%get3A_458, %get3A_459, %get3A_460] {strides = array<i32>} : memref<6x128x128xf32, #tpu.memory_space<vmem>>, vector<1x1x16xf32>,
      %get3A_462 = vector.shape_cast %get3A_461 : vector<1x1x16xf32> to vector<16xf32>
      %get3A_463 = arith.constant 5 : i32
      %get3A_464 = arith.index_cast %get3A_463 : i32 to index
      %get3A_465 = arith.index_cast %scan3A_338 : i32 to index
      %get3A_466 = arith.constant 96 : index
      %get3A_467 = tpu.vector_load %arg8[%get3A_464, %get3A_465, %get3A_466] {strides = array<i32>} : memref<6x128x128xf32, #tpu.memory_space<vmem>>, vector<1x1x16xf32>,
      %get3A_468 = vector.shape_cast %get3A_467 : vector<1x1x16xf32> to vector<16xf32>
      %mul3A_469 = arith.mulf %get3A_462, %get3A_468 : vector<16xf32>
      %swap3A_470 = arith.constant 3 : i32
      %swap3A_471 = arith.index_cast %swap3A_470 : i32 to index
      %swap3A_472 = arith.index_cast %scan3A_338 : i32 to index
      %swap3A_473 = arith.constant 96 : index
      %swap3A_474 = tpu.vector_load %arg8[%swap3A_471, %swap3A_472, %swap3A_473] {strides = array<i32>} : memref<6x128x128xf32, #tpu.memory_space<vmem>>, vector<1x1x16xf32>,
      %swap3A_475 = vector.shape_cast %swap3A_474 : vector<1x1x16xf32> to vector<16xf32>
      %swap3A_476 = vector.shape_cast %mul3A_469 : vector<16xf32> to vector<1x1x16xf32>
      tpu.vector_store %arg8[%swap3A_471, %swap3A_472, %swap3A_473], %swap3A_476 {strides = array<i32>} : memref<6x128x128xf32, #tpu.memory_space<vmem>>, vector<1x1x16xf32>,
      %get3A_477 = arith.constant 3 : i32
      %get3A_478 = arith.index_cast %get3A_477 : i32 to index
      %get3A_479 = arith.index_cast %scan3A_338 : i32 to index
      %get3A_480 = arith.constant 112 : index
      %get3A_481 = tpu.vector_load %arg8[%get3A_478, %get3A_479, %get3A_480] {strides = array<i32>} : memref<6x128x128xf32, #tpu.memory_space<vmem>>, vector<1x1x16xf32>,
      %get3A_482 = vector.shape_cast %get3A_481 : vector<1x1x16xf32> to vector<16xf32>
      %get3A_483 = arith.constant 5 : i32
      %get3A_484 = arith.index_cast %get3A_483 : i32 to index
      %get3A_485 = arith.index_cast %scan3A_338 : i32 to index
      %get3A_486 = arith.constant 112 : index
      %get3A_487 = tpu.vector_load %arg8[%get3A_484, %get3A_485, %get3A_486] {strides = array<i32>} : memref<6x128x128xf32, #tpu.memory_space<vmem>>, vector<1x1x16xf32>,
      %get3A_488 = vector.shape_cast %get3A_487 : vector<1x1x16xf32> to vector<16xf32>
      %mul3A_489 = arith.mulf %get3A_482, %get3A_488 : vector<16xf32>
      %swap3A_490 = arith.constant 3 : i32
      %swap3A_491 = arith.index_cast %swap3A_490 : i32 to index
      %swap3A_492 = arith.index_cast %scan3A_338 : i32 to index
      %swap3A_493 = arith.constant 112 : index
      %swap3A_494 = tpu.vector_load %arg8[%swap3A_491, %swap3A_492, %swap3A_493] {strides = array<i32>} : memref<6x128x128xf32, #tpu.memory_space<vmem>>, vector<1x1x16xf32>,
      %swap3A_495 = vector.shape_cast %swap3A_494 : vector<1x1x16xf32> to vector<16xf32>
      %swap3A_496 = vector.shape_cast %mul3A_489 : vector<16xf32> to vector<1x1x16xf32>
      tpu.vector_store %arg8[%swap3A_491, %swap3A_492, %swap3A_493], %swap3A_496 {strides = array<i32>} : memref<6x128x128xf32, #tpu.memory_space<vmem>>, vector<1x1x16xf32>,
    }
    %scan3A_266 = arith.constant 128 : i32
    %mul3A_267 = arith.constant 4 : i32
    %mul3A_268 = arith.muli %add3A, %mul3A_267 : i32
    %add3A_269 = arith.constant 3 : i32
    %add3A_270 = arith.addi %mul3A_268, %add3A_269 : i32
    %mul3A_271 = arith.constant 128 : i32
    %mul3A_272 = arith.muli %add3A_270, %mul3A_271 : i32
    %dma_start3A_273 = arith.constant 3 : i32
    %dma_start3A_274 = arith.constant 0 : i32
    %dma_start3A_275 = arith.constant 0 : i32
    %dma_start3A_276 = tpu.memref_slice %arg8[%dma_start3A_273, %dma_start3A_274, %dma_start3A_275] : memref<6x128x128xf32, #tpu.memory_space<vmem>> -> memref<1x128x128xf32, #tpu.memory_space<vmem>>
    %dma_start3A_277 = tpu.memref_squeeze %dma_start3A_276 : memref<1x128x128xf32, #tpu.memory_space<vmem>> -> memref<128x128xf32, #tpu.memory_space<vmem>>
    %dma_start3A_278 = arith.constant 0 : i32
    %dma_start3A_279 = tpu.memref_slice %arg6[%mul3A_272, %dma_start3A_278] : memref<16384x128xf32, #tpu.memory_space<hbm>> -> memref<128x128xf32, #tpu.memory_space<hbm>>
    %dma_start3A_280 = arith.constant 0 : i32
    %dma_start3A_281 = tpu.memref_slice %arg6[%mul3A_272, %dma_start3A_280] : memref<16384x128xf32, #tpu.memory_space<hbm>> -> memref<128x128xf32, #tpu.memory_space<hbm>>
    %dma_start3A_282 = arith.constant 0 : i32
    %dma_start3A_283 = arith.constant 0 : i32
    %dma_start3A_284 = tpu.memref_slice %arg8[%dma_start3A_273, %dma_start3A_282, %dma_start3A_283] : memref<6x128x128xf32, #tpu.memory_space<vmem>> -> memref<1x128x128xf32, #tpu.memory_space<vmem>>
    %dma_start3A_285 = tpu.memref_squeeze %dma_start3A_284 : memref<1x128x128xf32, #tpu.memory_space<vmem>> -> memref<128x128xf32, #tpu.memory_space<vmem>>
    tpu.enqueue_dma source(%dma_start3A_285 : memref<128x128xf32, #tpu.memory_space<vmem>>) target(%dma_start3A_281 : memref<128x128xf32, #tpu.memory_space<hbm>>) target_semaphore(%arg9 : memref<!tpu.dma_semaphore, #tpu.memory_space<semaphore_mem>>)
    %dma_wait3A_286 = arith.constant 0 : i32
    %dma_wait3A_287 = arith.constant 0 : i32
    %dma_wait3A_288 = arith.constant 0 : i32
    %dma_wait3A_289 = tpu.memref_slice %arg8[%dma_wait3A_286, %dma_wait3A_287, %dma_wait3A_288] : memref<6x128x128xf32, #tpu.memory_space<vmem>> -> memref<1x128x128xf32, #tpu.memory_space<vmem>>
    %dma_wait3A_290 = tpu.memref_squeeze %dma_wait3A_289 : memref<1x128x128xf32, #tpu.memory_space<vmem>> -> memref<128x128xf32, #tpu.memory_space<vmem>>
    %dma_wait3A_291 = arith.constant 0 : i32
    %dma_wait3A_292 = tpu.memref_slice %arg6[%mul3A_127, %dma_wait3A_291] : memref<16384x128xf32, #tpu.memory_space<hbm>> -> memref<128x128xf32, #tpu.memory_space<hbm>>
    %dma_wait3A_293 = arith.constant 0 : i32
    %dma_wait3A_294 = tpu.memref_slice %arg6[%mul3A_127, %dma_wait3A_293] : memref<16384x128xf32, #tpu.memory_space<hbm>> -> memref<128x128xf32, #tpu.memory_space<hbm>>
    %dma_wait3A_295 = arith.constant 0 : i32
    %dma_wait3A_296 = arith.constant 0 : i32
    %dma_wait3A_297 = tpu.memref_slice %arg8[%dma_wait3A_286, %dma_wait3A_295, %dma_wait3A_296] : memref<6x128x128xf32, #tpu.memory_space<vmem>> -> memref<1x128x128xf32, #tpu.memory_space<vmem>>
    %dma_wait3A_298 = tpu.memref_squeeze %dma_wait3A_297 : memref<1x128x128xf32, #tpu.memory_space<vmem>> -> memref<128x128xf32, #tpu.memory_space<vmem>>
    tpu.wait_dma2 semaphore(%arg9 : memref<!tpu.dma_semaphore, #tpu.memory_space<semaphore_mem>>) src(%dma_wait3A_298 : memref<128x128xf32, #tpu.memory_space<vmem>>) dst(%dma_wait3A_294 : memref<128x128xf32, #tpu.memory_space<hbm>>)
    %dma_wait3A_299 = arith.constant 1 : i32
    %dma_wait3A_300 = arith.constant 0 : i32
    %dma_wait3A_301 = arith.constant 0 : i32
    %dma_wait3A_302 = tpu.memref_slice %arg8[%dma_wait3A_299, %dma_wait3A_300, %dma_wait3A_301] : memref<6x128x128xf32, #tpu.memory_space<vmem>> -> memref<1x128x128xf32, #tpu.memory_space<vmem>>
    %dma_wait3A_303 = tpu.memref_squeeze %dma_wait3A_302 : memref<1x128x128xf32, #tpu.memory_space<vmem>> -> memref<128x128xf32, #tpu.memory_space<vmem>>
    %dma_wait3A_304 = arith.constant 0 : i32
    %dma_wait3A_305 = tpu.memref_slice %arg6[%mul3A_182, %dma_wait3A_304] : memref<16384x128xf32, #tpu.memory_space<hbm>> -> memref<128x128xf32, #tpu.memory_space<hbm>>
    %dma_wait3A_306 = arith.constant 0 : i32
    %dma_wait3A_307 = tpu.memref_slice %arg6[%mul3A_182, %dma_wait3A_306] : memref<16384x128xf32, #tpu.memory_space<hbm>> -> memref<128x128xf32, #tpu.memory_space<hbm>>
    %dma_wait3A_308 = arith.constant 0 : i32
    %dma_wait3A_309 = arith.constant 0 : i32
    %dma_wait3A_310 = tpu.memref_slice %arg8[%dma_wait3A_299, %dma_wait3A_308, %dma_wait3A_309] : memref<6x128x128xf32, #tpu.memory_space<vmem>> -> memref<1x128x128xf32, #tpu.memory_space<vmem>>
    %dma_wait3A_311 = tpu.memref_squeeze %dma_wait3A_310 : memref<1x128x128xf32, #tpu.memory_space<vmem>> -> memref<128x128xf32, #tpu.memory_space<vmem>>
    tpu.wait_dma2 semaphore(%arg9 : memref<!tpu.dma_semaphore, #tpu.memory_space<semaphore_mem>>) src(%dma_wait3A_311 : memref<128x128xf32, #tpu.memory_space<vmem>>) dst(%dma_wait3A_307 : memref<128x128xf32, #tpu.memory_space<hbm>>)
    %dma_wait3A_312 = arith.constant 2 : i32
    %dma_wait3A_313 = arith.constant 0 : i32
    %dma_wait3A_314 = arith.constant 0 : i32
    %dma_wait3A_315 = tpu.memref_slice %arg8[%dma_wait3A_312, %dma_wait3A_313, %dma_wait3A_314] : memref<6x128x128xf32, #tpu.memory_space<vmem>> -> memref<1x128x128xf32, #tpu.memory_space<vmem>>
    %dma_wait3A_316 = tpu.memref_squeeze %dma_wait3A_315 : memref<1x128x128xf32, #tpu.memory_space<vmem>> -> memref<128x128xf32, #tpu.memory_space<vmem>>
    %dma_wait3A_317 = arith.constant 0 : i32
    %dma_wait3A_318 = tpu.memref_slice %arg6[%mul3A_227, %dma_wait3A_317] : memref<16384x128xf32, #tpu.memory_space<hbm>> -> memref<128x128xf32, #tpu.memory_space<hbm>>
    %dma_wait3A_319 = arith.constant 0 : i32
    %dma_wait3A_320 = tpu.memref_slice %arg6[%mul3A_227, %dma_wait3A_319] : memref<16384x128xf32, #tpu.memory_space<hbm>> -> memref<128x128xf32, #tpu.memory_space<hbm>>
    %dma_wait3A_321 = arith.constant 0 : i32
    %dma_wait3A_322 = arith.constant 0 : i32
    %dma_wait3A_323 = tpu.memref_slice %arg8[%dma_wait3A_312, %dma_wait3A_321, %dma_wait3A_322] : memref<6x128x128xf32, #tpu.memory_space<vmem>> -> memref<1x128x128xf32, #tpu.memory_space<vmem>>
    %dma_wait3A_324 = tpu.memref_squeeze %dma_wait3A_323 : memref<1x128x128xf32, #tpu.memory_space<vmem>> -> memref<128x128xf32, #tpu.memory_space<vmem>>
    tpu.wait_dma2 semaphore(%arg9 : memref<!tpu.dma_semaphore, #tpu.memory_space<semaphore_mem>>) src(%dma_wait3A_324 : memref<128x128xf32, #tpu.memory_space<vmem>>) dst(%dma_wait3A_320 : memref<128x128xf32, #tpu.memory_space<hbm>>)
    %dma_wait3A_325 = arith.constant 3 : i32
    %dma_wait3A_326 = arith.constant 0 : i32
    %dma_wait3A_327 = arith.constant 0 : i32
    %dma_wait3A_328 = tpu.memref_slice %arg8[%dma_wait3A_325, %dma_wait3A_326, %dma_wait3A_327] : memref<6x128x128xf32, #tpu.memory_space<vmem>> -> memref<1x128x128xf32, #tpu.memory_space<vmem>>
    %dma_wait3A_329 = tpu.memref_squeeze %dma_wait3A_328 : memref<1x128x128xf32, #tpu.memory_space<vmem>> -> memref<128x128xf32, #tpu.memory_space<vmem>>
    %dma_wait3A_330 = arith.constant 0 : i32
    %dma_wait3A_331 = tpu.memref_slice %arg6[%mul3A_272, %dma_wait3A_330] : memref<16384x128xf32, #tpu.memory_space<hbm>> -> memref<128x128xf32, #tpu.memory_space<hbm>>
    %dma_wait3A_332 = arith.constant 0 : i32
    %dma_wait3A_333 = tpu.memref_slice %arg6[%mul3A_272, %dma_wait3A_332] : memref<16384x128xf32, #tpu.memory_space<hbm>> -> memref<128x128xf32, #tpu.memory_space<hbm>>
    %dma_wait3A_334 = arith.constant 0 : i32
    %dma_wait3A_335 = arith.constant 0 : i32
    %dma_wait3A_336 = tpu.memref_slice %arg8[%dma_wait3A_325, %dma_wait3A_334, %dma_wait3A_335] : memref<6x128x128xf32, #tpu.memory_space<vmem>> -> memref<1x128x128xf32, #tpu.memory_space<vmem>>
    %dma_wait3A_337 = tpu.memref_squeeze %dma_wait3A_336 : memref<1x128x128xf32, #tpu.memory_space<vmem>> -> memref<128x128xf32, #tpu.memory_space<vmem>>
    tpu.wait_dma2 semaphore(%arg9 : memref<!tpu.dma_semaphore, #tpu.memory_space<semaphore_mem>>) src(%dma_wait3A_337 : memref<128x128xf32, #tpu.memory_space<vmem>>) dst(%dma_wait3A_333 : memref<128x128xf32, #tpu.memory_space<hbm>>)
    return
  }
}

</mosaic_0001>

<sc_bundles>
// kernel: kernel.3.cloned.1.call-start
scs
__scs_entry_jumppad:
0x0: {  	(pc) =	sbr.rel $0x88, $3  }
0x1: {  	(tag) =	ssettag $0x0;
	lr =	simm.s32 $0x1  }
0x2: {  	[smem:$0x3F9D] =	sst lr;
	_ =	strace $0xD0000000  }
0x3: {  	_ = 	snop  }
0x4: {  	_ = 	snop  }
0x5: {  	_ = 	snop  }
0x6: {  	_ = 	snop  }
0x7: {  	_ = 	snop  }
__scs_overlays_trampoline_lowered:
0x8: {  	[smem:$0x3FAC] =	sst s0  }
0x9: {  	[smem:$0x3FAD] =	sst s1  }
0xa: {  	[smem:$0x3FAE] =	sst s2  }
0xb: {  	[smem:$0x3FAF] =	sst s3  }
0xc: {  	[smem:$0x3FB0] =	sst s4  }
0xd: {  	[smem:$0x3FB1] =	sst s5  }
0xe: {  	[smem:$0x3FB2] =	sst s6  }
0xf: {  	[smem:$0x3FB3] =	sst s7  }
0x10: {  	[smem:$0x3FB4] =	sst s8  }
0x11: {  	[smem:$0x3FB5] =	sst s9;
	s0 =	simm.s32 @!p0 $0x0  }
0x12: {  	s1 =	sld [smem:$0x3F9B];
	s0 =	simm.s32 @p0 $0x1  }
0x13: {  	[smem:$0x3FB6] =	sst s0;
	s0 =	simm.s32 @!p1 $0x0  }
0x14: {  	s2 =	sld [smem:$0x3F9A];
	s0 =	simm.s32 @p1 $0x1  }
0x15: {  	[smem:$0x3FB7] =	sst s0;
	s0 =	simm.s32 @!p2 $0x0  }
0x16: {  	s3 =	sld [smem:$0x3FDB];
	s0 =	simm.s32 @p2 $0x1  }
0x17: {  	s4 =	simm.s32 $0x1BF5;
	[smem:$0x3FB9] =	sst s0  }
0x18: {  	s0 =	sld [smem:$0x3F9C];
	_ =	swait.ge [sflag:s4], $0x0  }
0x19: {  	s7 =	sld [smem:$0x3F9D]  }
0x1a: {  	s8 =	sadd.s32 $0xFFFFE003, lr  }
0x1b: {  	s9 =	sadd.s32 $0xFFFFFEF7, lr;
	s5 =	simm.s32 $0xFFFFFFFF;
	p2 =	slt.u32 s8, $0xFFFFF086  }
0x1c: {  	p1 =	slt.u32 s9, $0xF7A;
	s5 =	simm.s32 @!p2 $0x0  }
0x1d: {  	s5 =	simm.s32 @p1 $0x1;
	p0 =	seq.s32 s7, s2  }
0x1e: {  	s7 =	smul.u32 @!p0 $0xF7A, s2;
	p2 =	seq.s32 @!p0 s5, $0x0  }
0x1f: {  	s9 =	smul.u32 $0xF7A, s1;
	s8 =	simm.s32 @!p0 $0x1BF5;
	p2 =	por !p2, p0  }
0x20: {  	[sflag:s8] =	ssyncset.s32 @!p0 $0xFFFFF086;
	s6 =	sadd.s32 @!p0 s3, s7;
	s7 =	simm.s32 @!p0 $0x108  }
0x21: {  	s3 =	sadd.s32 s3, s9;
	s6 =	sadd.s32 @!p0 $0x88, s6;
	s7 =	simm.s32 @p2 $0x1082  }
0x22: {  	[simem:s7], [sflag:s8] =	dma.local @!p0 [hbm:s6], $0xF7A  }
0x23: {  	s9 =	sor.u32 $0xD0000000, s2;
	s6 =	simm.s32 $0x108;
	_ =	swait.ge @!p0 [sflag:s8], $0x0  }
0x24: {  	s3 =	sadd.s32 $0x88, s3;
	s6 =	simm.s32 @!p1 $0x1082;
	[sflag:s4] =	ssyncset.s32 $0xFFFFF086  }
0x25: {  	[simem:s6], [sflag:s4] =	dma.local [hbm:s3], $0xF7A  }
0x26: {  	[smem:$0x3F9D] =	sst s1;
	(tag) =	ssettag s2;
	_ =	strace s9  }
0x27: {  	s1 =	sld [smem:$0x3FAD]  }
0x28: {  	s2 =	sld [smem:$0x3FAE]  }
0x29: {  	s4 =	sld [smem:$0x3FB0]  }
0x2a: {  	p0 =	seq.s32 s5, $0x0;
	s5 =	sld [smem:$0x3FB1]  }
0x2b: {  	s6 =	sld [smem:$0x3FB2]  }
0x2c: {  	s7 =	sld [smem:$0x3FB3]  }
0x2d: {  	s3 =	simm.s32 $0x108;
	s8 =	sld [smem:$0x3FB4]  }
0x2e: {  	s3 =	simm.s32 @!p0 $0x1082;
	s9 =	sld [smem:$0x3FB5]  }
0x2f: {  	lr =	sadd.s32 s0, s3;
	s0 =	sld [smem:$0x3FAC]  }
0x30: {  	s3 =	sld [smem:$0x3FAF]  }
0x31: {  	[smem:$0x3FB8] =	sst s10  }
0x32: {  	s10 =	sld [smem:$0x3FB6];
	_ =	sdelay $0x3  }
0x33: {  	p0 =	seq.s32 s10, $0x1;
	s10 =	sld [smem:$0x3FB8];
	_ =	sdelay $0x3  }
0x34: {  	[smem:$0x3FB8] =	sst s10  }
0x35: {  	s10 =	sld [smem:$0x3FB7];
	_ =	sdelay $0x3  }
0x36: {  	p1 =	seq.s32 s10, $0x1;
	s10 =	sld [smem:$0x3FB8];
	_ =	sdelay $0x3  }
0x37: {  	[smem:$0x3FB8] =	sst s10  }
0x38: {  	s10 =	sld [smem:$0x3FB9]  }
0x39: {  	_ = 	snop;
	(pc) =	sbr.ind lr, $3  }
0x3a: {  	_ = 	snop  }
0x3b: {  	_ = 	snop  }
0x3c: {  	p2 =	seq.s32 s10, $0x1;
	s10 =	sld [smem:$0x3FB8]  }
0x3d: {  	_ =	shalt  }
0x3e: {  	_ =	shalt  }
0x3f: {  	_ =	shalt  }
0x40: {  	_ =	shalt  }
0x41: {  	_ =	shalt  }
0x42: {  	_ =	shalt  }
0x43: {  	_ =	shalt  }
0x44: {  	_ =	shalt  }
0x45: {  	_ =	shalt  }
0x46: {  	_ =	shalt  }
0x47: {  	_ =	shalt  }
0x48: {  	_ =	shalt  }
0x49: {  	_ =	shalt  }
0x4a: {  	_ =	shalt  }
0x4b: {  	_ =	shalt  }
0x4c: {  	_ =	shalt  }
0x4d: {  	_ =	shalt  }
0x4e: {  	_ =	shalt  }
0x4f: {  	_ =	shalt  }
0x50: {  	_ =	shalt  }
0x51: {  	_ =	shalt  }
0x52: {  	_ =	shalt  }
0x53: {  	_ =	shalt  }
0x54: {  	_ =	shalt  }
0x55: {  	_ =	shalt  }
0x56: {  	_ =	shalt  }
0x57: {  	_ =	shalt  }
0x58: {  	_ =	shalt  }
0x59: {  	_ =	shalt  }
0x5a: {  	_ =	shalt  }
0x5b: {  	_ =	shalt  }
0x5c: {  	_ =	shalt  }
0x5d: {  	_ =	shalt  }
0x5e: {  	_ =	shalt  }
0x5f: {  	_ =	shalt  }
0x60: {  	_ =	shalt  }
0x61: {  	_ =	shalt  }
0x62: {  	_ =	shalt  }
0x63: {  	_ =	shalt  }
0x64: {  	_ =	shalt  }
0x65: {  	_ =	shalt  }
0x66: {  	_ =	shalt  }
0x67: {  	_ =	shalt  }
0x68: {  	_ =	shalt  }
0x69: {  	_ =	shalt  }
0x6a: {  	_ =	shalt  }
0x6b: {  	_ =	shalt  }
0x6c: {  	_ =	shalt  }
0x6d: {  	_ =	shalt  }
0x6e: {  	_ =	shalt  }
0x6f: {  	_ =	shalt  }
0x70: {  	_ =	shalt  }
0x71: {  	_ =	shalt  }
0x72: {  	_ =	shalt  }
0x73: {  	_ =	shalt  }
0x74: {  	_ =	shalt  }
0x75: {  	_ =	shalt  }
0x76: {  	_ =	shalt  }
0x77: {  	_ =	shalt  }
0x78: {  	_ =	shalt  }
0x79: {  	_ =	shalt  }
0x7a: {  	_ =	shalt  }
0x7b: {  	_ =	shalt  }
0x7c: {  	_ =	shalt  }
0x7d: {  	_ =	shalt  }
0x7e: {  	_ =	shalt  }
0x7f: {  	_ =	shalt  }
0x80: {  	_ =	shalt  }
0x81: {  	_ =	shalt  }
0x82: {  	_ =	shalt  }
0x83: {  	_ =	shalt  }
0x84: {  	_ =	shalt  }
0x85: {  	_ =	shalt  }
0x86: {  	_ =	shalt  }
0x87: {  	_ =	shalt  }
.Lfunc_end0:
.L_simem_size_0:
called_computation_lowered:
.L_overlay_start_0:
0x88: {  	s2 =	sld [smem:$0x3FD9]  }
0x89: {  	s3 =	sld [smem:$0x3FFE];
	_ =	sdelay $0x1  }
0x8a: {  	s1 =	srdreg.scid  }
0x8b: {  	s0 =	sand.u32 $0x1, s1  }
0x8c: {  	s18 =	sshll.u32 s0, $0xA;
	s2 =	sadd.s32 s3, s2  }
0x8d: {  	s2 =	sadd.s32 s2, s18  }
0x8e: {  	[smem:$0x3FC4] =	sst s2  }
0x8f: {  	_ = 	snop  }
0x90: {  	s2 =	sld [smem:$0x3FC9]  }
0x91: {  	s19 =	sld [smem:$0x3FC8]  }
0x92: {  	s4 =	sld [smem:$0x3FC7]  }
0x93: {  	s5 =	sld [smem:$0x3FC6]  }
0x94: {  	s6 =	sld [smem:$0x3FD0];
	(tm) =	ssettm $0x1  }
0x95: {  	s7 =	sld [smem:$0x3FFB];
	_ =	sdelay $0x3  }
0x96: {  	_ =	strace s7  }
0x97: {  	s7 =	sld [smem:$0x3FFC];
	_ =	sdelay $0x3  }
0x98: {  	_ =	strace s7  }
0x99: {  	s7 =	sld [smem:$0x3FFD];
	_ =	sdelay $0x3  }
0x9a: {  	_ =	strace s7  }
0x9b: {  	_ =	strace $0x8FFFFFFF  }
0x9c: {  	s20 =	sld [smem:$0x3FDB];
	_ =	sdelay $0x1  }
0x9d: {  	s8 =	simm.s32 $_scs_section_size  }
0x9e: {  	s9 =	simm.s32 $_size__tile_overlayer_lowered;
	s10 =	simm.s32 $_tile_overlayer_lowered  }
0x9f: {  	s23 =	simm.s32 $0x1BFF;
	s22 =	sshll.u32 s10, $0x1;
	s7 =	sadd.s32 s8, s20  }
0xa0: {  	s11 =	simm.s32 $0x0;
	s21 =	sshll.u32 s9, $0x1;
	s9 =	sadd.s32 s22, s7  }
0xa1: {  	[timem:s11], [sflag:s23] =	dma.local [hbm:s9], s21  }
0xa2: {  	_ =	swait.ge [sflag:s23], s21  }
0xa3: {  	s8 =	ssub.s32 $0x0, s21;
	[sflag:s23] =	ssyncset.done $0x0  }
0xa4: {  	[sflag:s23] =	ssyncadd.s32 s8;
	_ =	sdelay $0x1  }
0xa5: {  	s24 =	simm.s32 $0x1B8B  }
0xa6: {  	_ =	swait.ge [sflag:s24], $0x1  }
0xa7: {  	[sflag:s24] =	ssyncset.done $0x0  }
0xa8: {  	s25 =	simm.s32 $0x1B8E;
	[sflag:s24] =	ssyncadd.s32 $0xFFFFFFFF  }
0xa9: {  	s26 =	simm.s32 $execute0_lowered;
	[smem:$0x3FD2] =	sst s25  }
0xaa: {  	s8 =	sshll.u32 s26, $0x1;
	_ =	strace $0x80000046;
	[dreg:$0x1] =	wrdreg $0xFFFFFFFF  }
0xab: {  	s28 =	simm.s32 $_size_execute0_lowered;
	s7 =	sadd.s32 s7, s8;
	[dreg:$0x0] =	wrdreg $0x0  }
0xac: {  	s8 =	sshll.u32 s28, $0x1;
	[dreg:$0x2] =	wrdreg s7  }
0xad: {  	[dreg:$0x3] =	wrdreg s8  }
0xae: {  	[dreg:$0x4] =	wrdreg $0xC0  }
0xaf: {  	_ =	task [dreg:s11], $0x5FFFF  }
0xb0: {  	[dreg:$0x1] =	wrdreg $0xFFFFFFFF  }
0xb1: {  	[dreg:$0x0] =	wrdreg $0x60  }
0xb2: {  	[dreg:$0x2] =	wrdreg s2  }
0xb3: {  	[dreg:$0x3] =	wrdreg s19  }
0xb4: {  	[dreg:$0x4] =	wrdreg s4  }
0xb5: {  	[dreg:$0x5] =	wrdreg s5  }
0xb6: {  	[dreg:$0x6] =	wrdreg s6  }
0xb7: {  	[dreg:$0x7] =	wrdreg $0x9  }
0xb8: {  	_ =	task.clear_ibuf [dreg:s11], $0x8FFFF;
	_ =	strace $0x90000046  }
0xb9: {  	s29 =	simm.s32 $0x9;
	_ =	strace $0x80000048  }
0xba: {  	_ =	swait.ge [sflag:s29], $0x1  }
0xbb: {  	[sflag:s29] =	ssyncadd.s32 $0xFFFFFFFF  }
0xbc: {  	_ =	strace $0x90000048  }
0xbd: {  	_ =	sfence  }
0xbe: {  	s30 =	sld [smem:$0x0];
	_ =	sdelay $0x2  }
0xbf: {  	s31 =	sshll.u32 s1, $0xD;
	s1 =	sshrl.u32 s1, $0x2  }
0xc0: {  	s3 =	sand.u32 $0x4000, s31;
	s1 =	sadd.s32 s1, s30  }
0xc1: {  	s0 =	sor.u32 s3, s0;
	s1 =	sshll.u32 s1, $0x11  }
0xc2: {  	s0 =	sor.u32 s1, s0  }
0xc3: {  	s0 =	sadd.s32 $0x8F2B, s0  }
0xc4: {  	[sflag:s0] =	ssyncadd.remote.s32 $0x1  }
0xc5: {  	_ =	sfence.sel $0xFFFF  }
0xc6: {  	[dreg:$0x0] =	wrdreg $0xFFFFFFFF;
	(pc) =	sbr.abs _section_cstart, $3  }
0xc7: {  	[dreg:$0x1] =	wrdreg $0xFFFFFFFF  }
0xc8: {  	_ =	task.clear_ibuf [dreg:s11], $0x2FFFF;
	_ =	strace $0x9FFFFFFF  }
0xc9: {  	(tm) =	ssettm $0x7FFFFFFF  }
tec
execute0_lowered:
.L_overlay_start_1:
0x0: {  	(tag) =	ssettag $0x1  }
0x1: {  	s5 =	rddreg [dreg:$0x0]  }
0x2: {  	s7 =	rddreg [dreg:$0x1]  }
0x3: {  	s1 =	rddreg [dreg:$0x2]  }
0x4: {  	s2 =	rddreg [dreg:$0x3]  }
0x5: {  	s6 =	rddreg [dreg:$0x4]  }
0x6: {  	s0 =	rddreg [dreg:$0x5]  }
0x7: {  	s4 =	simm.s32 $0x0;
	s8 =	srdreg.scid;
	s3 =	stileid.u32  }
0x8: {  	s13 =	simm.s32 $0x1;
	s14 =	simm.s32 $0x2;
	s15 =	simm.s32 $0x80  }
0x9: {  	s16 =	simm.s32 $0x400;
	s17 =	simm.s32 $0x10400;
	s18 =	simm.s32 $0x4400  }
0xa: {  	s19 =	simm.s32 $0x280;
	s20 =	simm.s32 $0x14400;
	s21 =	simm.s32 $0x100  }
0xb: {  	s22 =	simm.s32 $0x8400;
	s23 =	simm.s32 $0x180;
	s24 =	simm.s32 $0xC400  }
0xc: {  	s25 =	simm.s32 $0x300;
	s26 =	simm.s32 $0x380;
	s28 =	simm.s32 $0x0  }
0xd: {  	[smem:$0x7FF] =	sst s4;
	s8 =	sand.u32 $0x1, s8;
	s9 =	sshll.u32 s3, $0x1  }
0xe: {  	_ =	strace $0x80000047;
	s10 =	ssub.s32 $0x2, s8;
	s8 =	sor.u32 s8, s9  }
0xf: {  	s31 =	sshrl.u32 s10, $0x1;
	s11 =	sshll.u32 s8, $0x6;
	s8 =	sshll.u32 s8, $0xD  }
0x10: {  	s12 =	ssub.s32 s10, s31;
	s5 =	sadd.s32 s5, s11;
	s6 =	sadd.s32 s6, s8  }
0x11: {  	s7 =	sadd.s32 s7, s11;
	s8 =	sadd.s32 $0x800, s6;
	s9 =	sadd.s32 $0x1000, s6  }
0x12: {  	s10 =	sadd.s32 $0x1800, s6;
	s11 =	smax.u32 s12, $0x1;
	s12 =	simm.s32 $0x200  }
.LBB2_1:
0x13: {  	[tilespmem:s4], [sflag:$0x1] =	stream.linear.gather [hbm4b:s5+s4], $0x200, $0x38;
	[tilespmem:$0x18400] =	vst v63  }
0x14: {  	_ = 	snop  }
0x15: {  	[tilespmem:s12], [sflag:$0x2] =	stream.linear.gather [hbm4b:s7+s4], $0x200, $0x38;
	[tilespmem:$0x18400] =	vst v63  }
0x16: {  	_ =	swait.ge [sflag:s13], $0x200  }
0x17: {  	[sflag:s13] =	ssyncset.done $0x0  }
0x18: {  	[sflag:s13] =	ssyncadd.s32 $0xFFFFFE00  }
0x19: {  	_ =	swait.ge [sflag:s14], $0x200  }
0x1a: {  	[sflag:s14] =	ssyncset.done $0x0  }
0x1b: {  	[sflag:s14] =	ssyncadd.s32 $0xFFFFFE00  }
0x1c: {  	[tilespmem:s16], [sflag:$0x1] =	stream.indirect.gather [hbm4b:s1+s15], $0x80, s4, s15, $0xb8;
	[tilespmem:$0x18400] =	vst v63  }
0x1d: {  	_ = 	snop  }
0x1e: {  	[tilespmem:s17], [sflag:$0x2] =	stream.indirect.gather [hbm4b:s2+s15], $0x80, s12, s15, $0xb8;
	[tilespmem:$0x18400] =	vst v63  }
0x1f: {  	_ = 	snop  }
0x20: {  	[tilespmem:s18], [sflag:$0x1] =	stream.indirect.gather [hbm4b:s1+s15], $0x80, s15, s15, $0xb8;
	[tilespmem:$0x18400] =	vst v63  }
0x21: {  	_ = 	snop  }
0x22: {  	[tilespmem:s20], [sflag:$0x2] =	stream.indirect.gather [hbm4b:s2+s15], $0x80, s19, s15, $0xb8;
	[tilespmem:$0x18400] =	vst v63  }
0x23: {  	_ = 	snop  }
0x24: {  	[tilespmem:s22], [sflag:$0x1] =	stream.indirect.gather [hbm4b:s1+s15], $0x80, s21, s15, $0xb8;
	[tilespmem:$0x18400] =	vst v63  }
0x25: {  	_ = 	snop  }
0x26: {  	[tilespmem:s24], [sflag:$0x1] =	stream.indirect.gather [hbm4b:s1+s15], $0x80, s23, s15, $0xb8;
	[tilespmem:$0x18400] =	vst v63  }
0x27: {  	_ =	swait.ge [sflag:s13], $0x4000  }
0x28: {  	[sflag:s13] =	ssyncset.done $0x0  }
0x29: {  	[sflag:s13] =	ssyncadd.s32 $0xFFFFC000  }
0x2a: {  	_ =	swait.ge [sflag:s14], $0x4000  }
0x2b: {  	[sflag:s14] =	ssyncset.done $0x0  }
0x2c: {  	s29 =	simm.s32 $0x0;
	[sflag:s14] =	ssyncadd.s32 $0xFFFFC000  }
0x2d: {  	v7 =	vld [tilespmem:s29+$0x10400]  }
0x2e: {  	v11 =	vld [tilespmem:s29+$0x10410]  }
0x2f: {  	v5 =	vld [tilespmem:s29+$0x10420]  }
0x30: {  	v4 =	vld [tilespmem:s29+$0x10430]  }
0x31: {  	v3 =	vld [tilespmem:s29+$0x10440]  }
0x32: {  	v2 =	vld [tilespmem:s29+$0x10450]  }
0x33: {  	v1 =	vld [tilespmem:s29+$0x10460]  }
0x34: {  	v0 =	vld [tilespmem:s29+$0x10470]  }
0x35: {  	v12 =	vld [tilespmem:s29+$0x400]  }
0x36: {  	v13 =	vld [tilespmem:s29+$0x410]  }
0x37: {  	v10 =	vld [tilespmem:s29+$0x420]  }
0x38: {  	v9 =	vld [tilespmem:s29+$0x430]  }
0x39: {  	v8 =	vld [tilespmem:s29+$0x440]  }
0x3a: {  	v6 =	vld [tilespmem:s29+$0x450];
	v12 =	vmul.f32 v7, v12  }
0x3b: {  	s30 =	simm.s32 $0x200;
	v11 =	vmul.f32 v11, v13;
	v7 =	vld [tilespmem:s29+$0x460]  }
.LBB2_2:
0x3c: {  	s31 =	sshra.s32 s30, $0x2;
	p0 =	sne.s32 s30, $0xFE00;
	[tilespmem:s29+$0x400] =	vst v12;
	v5 =	vmul.f32 v5, v10;
	v10 =	vld [tilespmem:s29+$0x470]  }
0x3d: {  	v12 =	vld [tilespmem:s31+$0x10400];
	[tilespmem:s29+$0x410] =	vst v11;
	v4 =	vmul.f32 v4, v9  }
0x3e: {  	v11 =	vld [tilespmem:s31+$0x10410];
	[tilespmem:s29+$0x420] =	vst v5;
	v3 =	vmul.f32 v3, v8  }
0x3f: {  	v5 =	vld [tilespmem:s31+$0x10420];
	[tilespmem:s29+$0x430] =	vst v4;
	v2 =	vmul.f32 v2, v6  }
0x40: {  	v4 =	vld [tilespmem:s31+$0x10430];
	[tilespmem:s29+$0x440] =	vst v3;
	v1 =	vmul.f32 v1, v7  }
0x41: {  	v3 =	vld [tilespmem:s31+$0x10440];
	[tilespmem:s29+$0x450] =	vst v2;
	v0 =	vmul.f32 v0, v10  }
0x42: {  	v2 =	vld [tilespmem:s31+$0x10450];
	[tilespmem:s29+$0x460] =	vst v1  }
0x43: {  	v1 =	vld [tilespmem:s31+$0x10460];
	[tilespmem:s29+$0x470] =	vst v0;
	s29 =	smov.u32 s31  }
0x44: {  	v0 =	vld [tilespmem:s29+$0x10470]  }
0x45: {  	v6 =	vld [tilespmem:s29+$0x400]  }
0x46: {  	v7 =	vld [tilespmem:s29+$0x410]  }
.Ltmp0:
0x47: {  	v10 =	vld [tilespmem:s29+$0x420];
	(pc) =	sbr.rel @p0 .LBB2_2-.Ltmp0, $4  }
0x48: {  	v9 =	vld [tilespmem:s29+$0x430]  }
0x49: {  	v8 =	vld [tilespmem:s29+$0x440]  }
0x4a: {  	v12 =	vmul.f32 v12, v6;
	v6 =	vld [tilespmem:s29+$0x450]  }
0x4b: {  	s30 =	sadd.s32 $0x200, s30;
	v11 =	vmul.f32 v11, v7;
	v7 =	vld [tilespmem:s29+$0x460]  }
0x4c: {  	[tilespmem:s29+$0x400] =	vst v12;
	v5 =	vmul.f32 v5, v10;
	v10 =	vld [tilespmem:s29+$0x470]  }
0x4d: {  	[tilespmem:s29+$0x410] =	vst v11;
	v4 =	vmul.f32 v4, v9  }
0x4e: {  	[tilespmem:s29+$0x420] =	vst v5;
	v3 =	vmul.f32 v3, v8  }
0x4f: {  	[tilespmem:s29+$0x430] =	vst v4;
	v2 =	vmul.f32 v2, v6  }
0x50: {  	[tilespmem:s29+$0x440] =	vst v3;
	v1 =	vmul.f32 v1, v7  }
0x51: {  	[tilespmem:s29+$0x450] =	vst v2;
	v0 =	vmul.f32 v0, v10  }
0x52: {  	[tilespmem:s29+$0x460] =	vst v1  }
0x53: {  	[tilespmem:s29+$0x470] =	vst v0  }
0x54: {  	[tilespmem:s17], [sflag:$0x2] =	stream.indirect.gather [hbm4b:s2+s15], $0x80, s25, s15, $0xb8;
	[tilespmem:$0x18400] =	vst v63  }
0x55: {  	s29 =	simm.s32 $0x0  }
0x56: {  	[hbm4b:s6+s29] =	stream.linear.scatter [tilespmem:s16], [sflag:$0x1], $0x4000, $0x38;
	[tilespmem:$0x18400] =	vst v63  }
0x57: {  	_ =	swait.ge [sflag:s13], $0x4000  }
0x58: {  	[sflag:s13] =	ssyncset.done $0x0  }
0x59: {  	[sflag:s13] =	ssyncadd.s32 $0xFFFFC000  }
0x5a: {  	_ =	swait.ge [sflag:s14], $0x4000  }
0x5b: {  	[sflag:s14] =	ssyncset.done $0x0  }
0x5c: {  	s29 =	simm.s32 $0x0;
	[sflag:s14] =	ssyncadd.s32 $0xFFFFC000  }
0x5d: {  	v7 =	vld [tilespmem:s29+$0x14400]  }
0x5e: {  	v11 =	vld [tilespmem:s29+$0x14410]  }
0x5f: {  	v5 =	vld [tilespmem:s29+$0x14420]  }
0x60: {  	v4 =	vld [tilespmem:s29+$0x14430]  }
0x61: {  	v3 =	vld [tilespmem:s29+$0x14440]  }
0x62: {  	v2 =	vld [tilespmem:s29+$0x14450]  }
0x63: {  	v1 =	vld [tilespmem:s29+$0x14460]  }
0x64: {  	v0 =	vld [tilespmem:s29+$0x14470]  }
0x65: {  	v12 =	vld [tilespmem:s29+$0x4400]  }
0x66: {  	v13 =	vld [tilespmem:s29+$0x4410]  }
0x67: {  	v10 =	vld [tilespmem:s29+$0x4420]  }
0x68: {  	v9 =	vld [tilespmem:s29+$0x4430]  }
0x69: {  	v8 =	vld [tilespmem:s29+$0x4440]  }
0x6a: {  	v6 =	vld [tilespmem:s29+$0x4450];
	v12 =	vmul.f32 v7, v12  }
0x6b: {  	s30 =	simm.s32 $0x200;
	v11 =	vmul.f32 v11, v13;
	v7 =	vld [tilespmem:s29+$0x4460]  }
.LBB2_4:
0x6c: {  	s31 =	sshra.s32 s30, $0x2;
	p0 =	sne.s32 s30, $0xFE00;
	[tilespmem:s29+$0x4400] =	vst v12;
	v5 =	vmul.f32 v5, v10;
	v10 =	vld [tilespmem:s29+$0x4470]  }
0x6d: {  	v12 =	vld [tilespmem:s31+$0x14400];
	[tilespmem:s29+$0x4410] =	vst v11;
	v4 =	vmul.f32 v4, v9  }
0x6e: {  	v11 =	vld [tilespmem:s31+$0x14410];
	[tilespmem:s29+$0x4420] =	vst v5;
	v3 =	vmul.f32 v3, v8  }
0x6f: {  	v5 =	vld [tilespmem:s31+$0x14420];
	[tilespmem:s29+$0x4430] =	vst v4;
	v2 =	vmul.f32 v2, v6  }
0x70: {  	v4 =	vld [tilespmem:s31+$0x14430];
	[tilespmem:s29+$0x4440] =	vst v3;
	v1 =	vmul.f32 v1, v7  }
0x71: {  	v3 =	vld [tilespmem:s31+$0x14440];
	[tilespmem:s29+$0x4450] =	vst v2;
	v0 =	vmul.f32 v0, v10  }
0x72: {  	v2 =	vld [tilespmem:s31+$0x14450];
	[tilespmem:s29+$0x4460] =	vst v1  }
0x73: {  	v1 =	vld [tilespmem:s31+$0x14460];
	[tilespmem:s29+$0x4470] =	vst v0;
	s29 =	smov.u32 s31  }
0x74: {  	v0 =	vld [tilespmem:s29+$0x14470]  }
0x75: {  	v6 =	vld [tilespmem:s29+$0x4400]  }
0x76: {  	v7 =	vld [tilespmem:s29+$0x4410]  }
.Ltmp1:
0x77: {  	v10 =	vld [tilespmem:s29+$0x4420];
	(pc) =	sbr.rel @p0 .LBB2_4-.Ltmp1, $4  }
0x78: {  	v9 =	vld [tilespmem:s29+$0x4430]  }
0x79: {  	v8 =	vld [tilespmem:s29+$0x4440]  }
0x7a: {  	v12 =	vmul.f32 v12, v6;
	v6 =	vld [tilespmem:s29+$0x4450]  }
0x7b: {  	s30 =	sadd.s32 $0x200, s30;
	v11 =	vmul.f32 v11, v7;
	v7 =	vld [tilespmem:s29+$0x4460]  }
0x7c: {  	[tilespmem:s29+$0x4400] =	vst v12;
	v5 =	vmul.f32 v5, v10;
	v10 =	vld [tilespmem:s29+$0x4470]  }
0x7d: {  	[tilespmem:s29+$0x4410] =	vst v11;
	v4 =	vmul.f32 v4, v9  }
0x7e: {  	[tilespmem:s29+$0x4420] =	vst v5;
	v3 =	vmul.f32 v3, v8  }
0x7f: {  	[tilespmem:s29+$0x4430] =	vst v4;
	v2 =	vmul.f32 v2, v6  }
0x80: {  	[tilespmem:s29+$0x4440] =	vst v3;
	v1 =	vmul.f32 v1, v7  }
0x81: {  	[tilespmem:s29+$0x4450] =	vst v2;
	v0 =	vmul.f32 v0, v10  }
0x82: {  	[tilespmem:s29+$0x4460] =	vst v1  }
0x83: {  	[tilespmem:s29+$0x4470] =	vst v0  }
0x84: {  	[tilespmem:s20], [sflag:$0x2] =	stream.indirect.gather [hbm4b:s2+s15], $0x80, s26, s15, $0xb8;
	[tilespmem:$0x18400] =	vst v63  }
0x85: {  	s29 =	simm.s32 $0x0  }
0x86: {  	[hbm4b:s8+s29] =	stream.linear.scatter [tilespmem:s18], [sflag:$0x1], $0x4000, $0x38;
	[tilespmem:$0x18400] =	vst v63  }
0x87: {  	_ =	swait.ge [sflag:s13], $0x4000  }
0x88: {  	[sflag:s13] =	ssyncset.done $0x0  }
0x89: {  	[sflag:s13] =	ssyncadd.s32 $0xFFFFC000  }
0x8a: {  	_ =	swait.ge [sflag:s14], $0x4000  }
0x8b: {  	[sflag:s14] =	ssyncset.done $0x0  }
0x8c: {  	s29 =	simm.s32 $0x0;
	[sflag:s14] =	ssyncadd.s32 $0xFFFFC000  }
0x8d: {  	v7 =	vld [tilespmem:s29+$0x10400]  }
0x8e: {  	v11 =	vld [tilespmem:s29+$0x10410]  }
0x8f: {  	v5 =	vld [tilespmem:s29+$0x10420]  }
0x90: {  	v4 =	vld [tilespmem:s29+$0x10430]  }
0x91: {  	v3 =	vld [tilespmem:s29+$0x10440]  }
0x92: {  	v2 =	vld [tilespmem:s29+$0x10450]  }
0x93: {  	v1 =	vld [tilespmem:s29+$0x10460]  }
0x94: {  	v0 =	vld [tilespmem:s29+$0x10470]  }
0x95: {  	v12 =	vld [tilespmem:s29+$0x8400]  }
0x96: {  	v13 =	vld [tilespmem:s29+$0x8410]  }
0x97: {  	v10 =	vld [tilespmem:s29+$0x8420]  }
0x98: {  	v9 =	vld [tilespmem:s29+$0x8430]  }
0x99: {  	v8 =	vld [tilespmem:s29+$0x8440]  }
0x9a: {  	v6 =	vld [tilespmem:s29+$0x8450];
	v12 =	vmul.f32 v7, v12  }
0x9b: {  	s30 =	simm.s32 $0x200;
	v11 =	vmul.f32 v11, v13;
	v7 =	vld [tilespmem:s29+$0x8460]  }
.LBB2_6:
0x9c: {  	s31 =	sshra.s32 s30, $0x2;
	p0 =	sne.s32 s30, $0xFE00;
	[tilespmem:s29+$0x8400] =	vst v12;
	v5 =	vmul.f32 v5, v10;
	v10 =	vld [tilespmem:s29+$0x8470]  }
0x9d: {  	v12 =	vld [tilespmem:s31+$0x10400];
	[tilespmem:s29+$0x8410] =	vst v11;
	v4 =	vmul.f32 v4, v9  }
0x9e: {  	v11 =	vld [tilespmem:s31+$0x10410];
	[tilespmem:s29+$0x8420] =	vst v5;
	v3 =	vmul.f32 v3, v8  }
0x9f: {  	v5 =	vld [tilespmem:s31+$0x10420];
	[tilespmem:s29+$0x8430] =	vst v4;
	v2 =	vmul.f32 v2, v6  }
0xa0: {  	v4 =	vld [tilespmem:s31+$0x10430];
	[tilespmem:s29+$0x8440] =	vst v3;
	v1 =	vmul.f32 v1, v7  }
0xa1: {  	v3 =	vld [tilespmem:s31+$0x10440];
	[tilespmem:s29+$0x8450] =	vst v2;
	v0 =	vmul.f32 v0, v10  }
0xa2: {  	v2 =	vld [tilespmem:s31+$0x10450];
	[tilespmem:s29+$0x8460] =	vst v1  }
0xa3: {  	v1 =	vld [tilespmem:s31+$0x10460];
	[tilespmem:s29+$0x8470] =	vst v0;
	s29 =	smov.u32 s31  }
0xa4: {  	v0 =	vld [tilespmem:s29+$0x10470]  }
0xa5: {  	v6 =	vld [tilespmem:s29+$0x8400]  }
0xa6: {  	v7 =	vld [tilespmem:s29+$0x8410]  }
.Ltmp2:
0xa7: {  	v10 =	vld [tilespmem:s29+$0x8420];
	(pc) =	sbr.rel @p0 .LBB2_6-.Ltmp2, $4  }
0xa8: {  	v9 =	vld [tilespmem:s29+$0x8430]  }
0xa9: {  	v8 =	vld [tilespmem:s29+$0x8440]  }
0xaa: {  	v12 =	vmul.f32 v12, v6;
	v6 =	vld [tilespmem:s29+$0x8450]  }
0xab: {  	s30 =	sadd.s32 $0x200, s30;
	v11 =	vmul.f32 v11, v7;
	v7 =	vld [tilespmem:s29+$0x8460]  }
0xac: {  	[tilespmem:s29+$0x8400] =	vst v12;
	v5 =	vmul.f32 v5, v10;
	v10 =	vld [tilespmem:s29+$0x8470]  }
0xad: {  	[tilespmem:s29+$0x8410] =	vst v11;
	v4 =	vmul.f32 v4, v9  }
0xae: {  	[tilespmem:s29+$0x8420] =	vst v5;
	v3 =	vmul.f32 v3, v8  }
0xaf: {  	[tilespmem:s29+$0x8430] =	vst v4;
	v2 =	vmul.f32 v2, v6  }
0xb0: {  	[tilespmem:s29+$0x8440] =	vst v3;
	v1 =	vmul.f32 v1, v7  }
0xb1: {  	[tilespmem:s29+$0x8450] =	vst v2;
	v0 =	vmul.f32 v0, v10  }
0xb2: {  	[tilespmem:s29+$0x8460] =	vst v1  }
0xb3: {  	[tilespmem:s29+$0x8470] =	vst v0;
	s29 =	simm.s32 $0x0  }
0xb4: {  	[hbm4b:s9+s29] =	stream.linear.scatter [tilespmem:s22], [sflag:$0x1], $0x4000, $0x38;
	[tilespmem:$0x18400] =	vst v63  }
0xb5: {  	_ =	swait.ge [sflag:s13], $0x4000  }
0xb6: {  	[sflag:s13] =	ssyncset.done $0x0  }
0xb7: {  	[sflag:s13] =	ssyncadd.s32 $0xFFFFC000  }
0xb8: {  	_ =	swait.ge [sflag:s14], $0x4000  }
0xb9: {  	[sflag:s14] =	ssyncset.done $0x0  }
0xba: {  	s29 =	simm.s32 $0x0;
	[sflag:s14] =	ssyncadd.s32 $0xFFFFC000  }
0xbb: {  	v7 =	vld [tilespmem:s29+$0x14400]  }
0xbc: {  	v11 =	vld [tilespmem:s29+$0x14410]  }
0xbd: {  	v5 =	vld [tilespmem:s29+$0x14420]  }
0xbe: {  	v4 =	vld [tilespmem:s29+$0x14430]  }
0xbf: {  	v3 =	vld [tilespmem:s29+$0x14440]  }
0xc0: {  	v2 =	vld [tilespmem:s29+$0x14450]  }
0xc1: {  	v1 =	vld [tilespmem:s29+$0x14460]  }
0xc2: {  	v0 =	vld [tilespmem:s29+$0x14470]  }
0xc3: {  	v12 =	vld [tilespmem:s29+$0xC400]  }
0xc4: {  	v13 =	vld [tilespmem:s29+$0xC410]  }
0xc5: {  	v10 =	vld [tilespmem:s29+$0xC420]  }
0xc6: {  	v9 =	vld [tilespmem:s29+$0xC430]  }
0xc7: {  	v8 =	vld [tilespmem:s29+$0xC440]  }
0xc8: {  	v6 =	vld [tilespmem:s29+$0xC450];
	v12 =	vmul.f32 v7, v12  }
0xc9: {  	s30 =	simm.s32 $0x200;
	v11 =	vmul.f32 v11, v13;
	v7 =	vld [tilespmem:s29+$0xC460]  }
.LBB2_8:
0xca: {  	s31 =	sshra.s32 s30, $0x2;
	p0 =	sne.s32 s30, $0xFE00;
	[tilespmem:s29+$0xC400] =	vst v12;
	v5 =	vmul.f32 v5, v10;
	v10 =	vld [tilespmem:s29+$0xC470]  }
0xcb: {  	v12 =	vld [tilespmem:s31+$0x14400];
	[tilespmem:s29+$0xC410] =	vst v11;
	v4 =	vmul.f32 v4, v9  }
0xcc: {  	v11 =	vld [tilespmem:s31+$0x14410];
	[tilespmem:s29+$0xC420] =	vst v5;
	v3 =	vmul.f32 v3, v8  }
0xcd: {  	v5 =	vld [tilespmem:s31+$0x14420];
	[tilespmem:s29+$0xC430] =	vst v4;
	v2 =	vmul.f32 v2, v6  }
0xce: {  	v4 =	vld [tilespmem:s31+$0x14430];
	[tilespmem:s29+$0xC440] =	vst v3;
	v1 =	vmul.f32 v1, v7  }
0xcf: {  	v3 =	vld [tilespmem:s31+$0x14440];
	[tilespmem:s29+$0xC450] =	vst v2;
	v0 =	vmul.f32 v0, v10  }
0xd0: {  	v2 =	vld [tilespmem:s31+$0x14450];
	[tilespmem:s29+$0xC460] =	vst v1  }
0xd1: {  	v1 =	vld [tilespmem:s31+$0x14460];
	[tilespmem:s29+$0xC470] =	vst v0;
	s29 =	smov.u32 s31  }
0xd2: {  	v0 =	vld [tilespmem:s29+$0x14470]  }
0xd3: {  	v6 =	vld [tilespmem:s29+$0xC400]  }
0xd4: {  	v7 =	vld [tilespmem:s29+$0xC410]  }
.Ltmp3:
0xd5: {  	v10 =	vld [tilespmem:s29+$0xC420];
	(pc) =	sbr.rel @p0 .LBB2_8-.Ltmp3, $4  }
0xd6: {  	v9 =	vld [tilespmem:s29+$0xC430]  }
0xd7: {  	v8 =	vld [tilespmem:s29+$0xC440]  }
0xd8: {  	v12 =	vmul.f32 v12, v6;
	v6 =	vld [tilespmem:s29+$0xC450]  }
0xd9: {  	s30 =	sadd.s32 $0x200, s30;
	v11 =	vmul.f32 v11, v7;
	v7 =	vld [tilespmem:s29+$0xC460]  }
0xda: {  	[tilespmem:s29+$0xC400] =	vst v12;
	v5 =	vmul.f32 v5, v10;
	v63 =	vld [tilespmem:s29+$0xC470]  }
0xdb: {  	[tilespmem:s29+$0xC410] =	vst v11;
	v4 =	vmul.f32 v4, v9  }
0xdc: {  	[tilespmem:s29+$0xC420] =	vst v5;
	v3 =	vmul.f32 v3, v8  }
0xdd: {  	[tilespmem:s29+$0xC430] =	vst v4;
	v2 =	vmul.f32 v2, v6  }
0xde: {  	[tilespmem:s29+$0xC440] =	vst v3;
	v1 =	vmul.f32 v1, v7  }
0xdf: {  	[tilespmem:s29+$0xC450] =	vst v2;
	v0 =	vmul.f32 v0, v63  }
0xe0: {  	[tilespmem:s29+$0xC460] =	vst v1  }
0xe1: {  	[tilespmem:s29+$0xC470] =	vst v0  }
0xe2: {  	[hbm4b:s10+s4] =	stream.linear.scatter [tilespmem:s24], [sflag:$0x1], $0x4000, $0x38;
	[tilespmem:$0x18400] =	vst v63  }
0xe3: {  	_ =	swait.ge [sflag:s13], $0x4000  }
0xe4: {  	[sflag:s13] =	ssyncset.done $0x0  }
0xe5: {  	[sflag:s13] =	ssyncadd.s32 $0xFFFFC000  }
0xe6: {  	_ =	swait.ge [sflag:s13], $0x4000  }
0xe7: {  	[sflag:s13] =	ssyncset.done $0x0  }
0xe8: {  	s28 =	sadd.s32 $0x1, s28;
	[sflag:s13] =	ssyncadd.s32 $0xFFFFC000  }
0xe9: {  	p0 =	sne.s32 s28, s11;
	_ =	swait.ge [sflag:s13], $0x4000  }
.Ltmp4:
0xea: {  	[sflag:s13] =	ssyncset.done $0x0;
	(pc) =	sbr.rel @p0 .LBB2_1-.Ltmp4, $4  }
0xeb: {  	[sflag:s13] =	ssyncadd.s32 $0xFFFFC000  }
0xec: {  	_ =	swait.ge [sflag:s13], $0x4000  }
0xed: {  	[sflag:s13] =	ssyncset.done $0x0  }
0xee: {  	[sflag:s13] =	ssyncadd.s32 $0xFFFFC000  }
0xef: {  	_ =	sfence.sel $0x180000  }
0xf0: {  	[bflag:$0x0] =	sbarrier.arrive $0xFFFF  }
0xf1: {  	p0 =	sne.s32 s3, $0x0;
	_ =	strace $0x90000047  }
0xf2: {  	s0 =	sadd.s32 @!p0 $0x100000, s0;
	[bflag:$0x2] =	sbarrier.arrive $0xFFFF  }
0xf3: {  	[sflag:s0] =	ssyncadd.tile.s32 @!p0 $0x1;
	_ =	shalt  }
.Lfunc_end2:
_tile_overlayer_lowered:
.L_overlay_start_2:
0xf4: {  	(tag) =	ssettag $0x2  }
0xf5: {  	s0 =	rddreg [dreg:$0x0];
	s2 =	stileid.u32  }
0xf6: {  	s1 =	rddreg [dreg:$0x1];
	p0 =	sne.s32 s2, $0x0  }
0xf7: {  	s3 =	rddreg [dreg:$0x2];
	[bflag:$0x3] =	sbarrier.arrive $0xFFFF;
	s2 =	simm.s32 @!p0 $0x1C03  }
0xf8: {  	[timem:s3], [sflag:s2] =	dma.local @!p0 [hbm:s0], s1  }
0xf9: {  	s0 =	simm.s32 @!p0 $0x3  }
0xfa: {  	_ =	swait.ge @!p0 [sflag:s0], s1  }
0xfb: {  	s1 =	ssub.s32 @!p0 $0x0, s1;
	[sflag:s0] =	ssyncset.done @!p0 $0x0  }
0xfc: {  	[sflag:s0] =	ssyncadd.s32 @!p0 s1  }
0xfd: {  	[bflag:$0x3] =	sbarrier.arrive $0xFFFF  }
0xfe: {  	_ =	shalt  }

</sc_bundles>
